<compile_context>
chip_gen: v7x
topology: tpu7x:2x2x1
jax: 0.10.2.dev20260603
libtpu: 0.0.44.dev20260713+nightly
codegen_flags: <defaults>
</compile_context>

<pallas_src>
import functools

import jax
import jax.numpy as jnp
from jax import lax
from jax.experimental import pallas as pl
from jax.experimental.pallas import tpu as pltpu
from jax.experimental.pallas import tpu_sc as plsc

F32 = jnp.float32
BF16 = jnp.bfloat16
N_CODES = 16384
D = 32
B = 4
PIX = 1024
NPIX = B * PIX
CODE_TILE = 4096
N_TILES = N_CODES // CODE_TILE
GR = 128
NG = CODE_TILE // GR


def _dot_bf16(a, b):
    return lax.dot_general(a.astype(BF16), b.astype(BF16),
                           (((1,), (0,)), ((), ())),
                           preferred_element_type=F32)


def _argmax_body(enc_ref, embn_bf, projw_ref, projb_ref,
                 encn_ref, idx_ref, encn_bf, best_val, best_idx):
    t = pl.program_id(1)

    @pl.when(t == 0)
    def _project():
        enc = _dot_bf16(projw_ref[...], enc_ref[0]) + projb_ref[...]
        n = jnp.sqrt(jnp.sum(enc * enc, axis=0, keepdims=True))
        encn = enc / jnp.maximum(n, 1e-6)
        encn_ref[0] = encn
        encn_bf[...] = encn.astype(BF16)
        best_val[...] = jnp.full((1, PIX), -jnp.inf, F32)
        best_idx[...] = jnp.zeros((1, PIX), jnp.int32)

    embt = embn_bf[pl.ds(t * CODE_TILE, CODE_TILE), :]
    s = lax.dot_general(embt, encn_bf[...], (((1,), (0,)), ((), ())),
                        preferred_element_type=F32)
    val = s[0:GR, :]
    pay = jnp.zeros((GR, PIX), jnp.int32)
    for g in range(1, NG):
        sg = s[g * GR:(g + 1) * GR, :]
        keep = val >= sg
        pay = jnp.where(keep, pay, g)
        val = jnp.where(keep, val, sg)
    pay = lax.broadcasted_iota(jnp.int32, (GR, 1), 0) * NG + pay
    r = GR
    while r > 1:
        h = r // 2
        av, bv = val[0:h, :], val[h:r, :]
        ap, bp = pay[0:h, :], pay[h:r, :]
        keep = (av > bv) | ((av == bv) & (ap <= bp))
        val = jnp.where(keep, av, bv)
        pay = jnp.where(keep, ap, bp)
        r = h
    m = val
    loc = pay + t * CODE_TILE
    upd = m > best_val[...]
    best_val[...] = jnp.where(upd, m, best_val[...])
    best_idx[...] = jnp.where(upd, loc, best_idx[...])

    @pl.when(t == N_TILES - 1)
    def _emit():
        idx_ref[0] = best_idx[...]


def _tc_argmax(enc3, embn_bf16, proj_w, projb):
    return pl.pallas_call(
        _argmax_body,
        grid=(B, N_TILES),
        in_specs=[
            pl.BlockSpec((1, 512, PIX), lambda b, t: (b, 0, 0)),
            pl.BlockSpec((N_CODES, D), lambda b, t: (0, 0)),
            pl.BlockSpec((D, 512), lambda b, t: (0, 0)),
            pl.BlockSpec((D, 1), lambda b, t: (0, 0)),
        ],
        out_specs=[
            pl.BlockSpec((1, D, PIX), lambda b, t: (b, 0, 0)),
            pl.BlockSpec((1, 1, PIX), lambda b, t: (b, 0, 0)),
        ],
        out_shape=[
            jax.ShapeDtypeStruct((B, D, PIX), F32),
            jax.ShapeDtypeStruct((B, 1, PIX), jnp.int32),
        ],
        scratch_shapes=[
            pltpu.VMEM((D, PIX), BF16),
            pltpu.VMEM((1, PIX), F32),
            pltpu.VMEM((1, PIX), jnp.int32),
        ],
    )(enc3, embn_bf16, proj_w, projb)


def _sc_gather_hist(idx_flat, emb4, n_cores, n_subcores):
    nw = n_cores * n_subcores
    bpw = NPIX // nw
    mesh = plsc.VectorSubcoreMesh(core_axis_name="c", subcore_axis_name="s")
    hist_chunk = N_CODES // n_subcores

    @functools.partial(
        pl.kernel,
        mesh=mesh,
        out_type=[
            jax.ShapeDtypeStruct((NPIX, 128), F32),
            jax.ShapeDtypeStruct((n_cores, N_CODES), F32),
        ],
        scratch_types=[
            pltpu.VMEM((bpw,), jnp.int32),
            pltpu.VMEM((bpw,), jnp.int32),
            pltpu.VMEM((bpw, 128), F32),
            pltpu.VMEM((bpw,), F32),
            pltpu.VMEM((hist_chunk,), F32),
            pltpu.VMEM_SHARED((N_CODES,), F32),
            pltpu.SemaphoreType.DMA,
        ],
    )
    def body(idx_hbm, table_hbm, lat_out, hist_out,
             idx_v, idx4_v, rows_v, ones_v, zeros_v, hist_sh, sem):
        c = lax.axis_index("c")
        s = lax.axis_index("s")
        wid = s * n_cores + c
        base = wid * bpw

        for i in range(hist_chunk // 16):
            zeros_v[pl.ds(i * 16, 16)] = jnp.zeros((16,), F32)
        for i in range(bpw // 16):
            ones_v[pl.ds(i * 16, 16)] = jnp.ones((16,), F32)

        pltpu.sync_copy(idx_hbm.at[pl.ds(base, bpw)], idx_v)
        for i in range(bpw // 16):
            sl = pl.ds(i * 16, 16)
            idx4_v[sl] = lax.shift_right_logical(idx_v[sl], 2)
        pltpu.async_copy(table_hbm.at[idx4_v], rows_v, sem).wait()
        pltpu.sync_copy(rows_v, lat_out.at[pl.ds(base, bpw)])

        pltpu.sync_copy(zeros_v, hist_sh.at[pl.ds(s * hist_chunk, hist_chunk)])
        plsc.subcore_barrier()
        pltpu.sync_copy(ones_v, hist_sh.at[idx_v], add=True)
        plsc.subcore_barrier()

        @pl.when(s == 0)
        def _emit():
            pltpu.sync_copy(hist_sh, hist_out.at[c])

    return body(idx_flat, emb4)


def _expand_body(encn_ref, lat4_ref, idx_ref, hist_ref, expw_ref, expb_ref,
                 out_ref, loss_ref, perp_ref):
    b = pl.program_id(0)

    sub = jnp.transpose(idx_ref[0] & 3)
    lat4 = lat4_ref[0]
    lat = jnp.zeros((PIX, D), F32)
    for k in range(4):
        lat = jnp.where(sub == k, lat4[:, k * D:(k + 1) * D], lat)
    n = jnp.sqrt(jnp.sum(lat * lat, axis=1, keepdims=True))
    latn = lat / jnp.maximum(n, 1e-6)
    latn_t = jnp.transpose(latn)
    out_ref[0] = _dot_bf16(expw_ref[...], latn_t) + expb_ref[...]

    d = encn_ref[0] - latn_t
    sq = jnp.sum(jnp.sum(d * d, axis=1, keepdims=True), axis=0, keepdims=True)

    @pl.when(b == 0)
    def _scalars():
        loss_ref[...] = jnp.zeros((1, 1), F32)
        usage = (hist_ref[0] + hist_ref[1]) * (1.0 / NPIX)
        ent2 = jnp.sum(usage * jnp.log(usage + 1e-6), axis=1, keepdims=True)
        ent = jnp.sum(ent2, axis=0, keepdims=True)
        perp_ref[...] = jnp.exp(-ent)

    loss_ref[...] += sq * (1.0 / (NPIX * D))


def _tc_expand(encn, lat4, idx3, hist, exp_w, expb):
    return pl.pallas_call(
        _expand_body,
        grid=(B,),
        in_specs=[
            pl.BlockSpec((1, D, PIX), lambda b: (b, 0, 0)),
            pl.BlockSpec((1, PIX, 128), lambda b: (b, 0, 0)),
            pl.BlockSpec((1, 1, PIX), lambda b: (b, 0, 0)),
            pl.BlockSpec((2, 128, 128), lambda b: (0, 0, 0)),
            pl.BlockSpec((512, D), lambda b: (0, 0)),
            pl.BlockSpec((512, 1), lambda b: (0, 0)),
        ],
        out_specs=[
            pl.BlockSpec((1, 512, PIX), lambda b: (b, 0, 0)),
            pl.BlockSpec((1, 1), lambda b: (0, 0)),
            pl.BlockSpec((1, 1), lambda b: (0, 0)),
        ],
        out_shape=[
            jax.ShapeDtypeStruct((B, 512, PIX), F32),
            jax.ShapeDtypeStruct((1, 1), F32),
            jax.ShapeDtypeStruct((1, 1), F32),
        ],
    )(encn, lat4, idx3, hist, exp_w, expb)


def kernel(encodings, emb_w, proj_w, proj_b, exp_w, exp_b):
    info = plsc.get_sparse_core_info()
    n_cores, n_subcores = info.num_cores, info.num_subcores

    enc3 = encodings.reshape(B, 512, PIX)
    projb = proj_b.reshape(D, 1)
    expb = exp_b.reshape(512, 1)

    en = jnp.sqrt(jnp.sum(emb_w * emb_w, axis=1, keepdims=True))
    embn_bf16 = (emb_w / jnp.maximum(en, 1e-6)).astype(BF16)
    emb_perm = (embn_bf16.reshape(N_TILES, GR, NG, D)
                .transpose(0, 2, 1, 3).reshape(N_CODES, D))

    encn, idx3 = _tc_argmax(enc3, emb_perm, proj_w, projb)
    idx_flat = idx3.reshape(NPIX)

    emb4 = emb_w.reshape(NPIX, 128)
    lat4, hist = _sc_gather_hist(idx_flat, emb4, n_cores, n_subcores)

    out3, loss, perp = _tc_expand(encn, lat4.reshape(B, PIX, 128), idx3,
                                  hist.reshape(2, 128, 128), exp_w, expb)

    out = out3.reshape(B, 512, 32, 32)
    closest = idx_flat.reshape(B, 32, 32)
    return (out, closest, loss.reshape(()), perp.reshape(()))

# --- scband reference (transcript-rebuilt; emitter-appended) ---
"""Pipeline reference for scband-vqganquantizer-35064113004918 (READ-ONLY COPY).

The authoritative reference and input builder live on the scoring server;
editing this copy changes nothing except your own understanding.
"""

import jax, jax.numpy as jnp
import numpy as np


def _normalize(x, axis):
    n = jnp.sqrt(jnp.sum(x * x, axis=axis, keepdims=True))
    return x / jnp.maximum(n, 1e-6)


def setup_inputs(seed: int = 0) -> dict:
    key = jax.random.key(seed)
    k1, k2, k3, k4, k5, k6 = jax.random.split(key, 6)
    encodings = jax.random.normal(k1, (4, 512, 32, 32), dtype=jnp.float32)
    emb_w = jax.random.normal(k2, (16384, 32), dtype=jnp.float32) * 0.02
    proj_w = jax.random.normal(k3, (32, 512), dtype=jnp.float32) * (1.0 / np.sqrt(512.0))
    proj_b = jax.random.normal(k4, (32,), dtype=jnp.float32) * 0.01
    exp_w = jax.random.normal(k5, (512, 32), dtype=jnp.float32) * (1.0 / np.sqrt(32.0))
    exp_b = jax.random.normal(k6, (512,), dtype=jnp.float32) * 0.01
    return {"encodings": encodings, "emb_w": emb_w, "proj_w": proj_w, "proj_b": proj_b, "exp_w": exp_w, "exp_b": exp_b}


def reference(encodings, emb_w, proj_w, proj_b, exp_w, exp_b):
    # projection: Conv2d 1x1 == pointwise linear over channel dim
    enc = jnp.einsum('bdhw,od->bohw', encodings, proj_w) + proj_b[None, :, None, None]
    enc = _normalize(enc, axis=1)
    emb = _normalize(emb_w, axis=1)
    cos = jnp.einsum('bdhw,nd->bnhw', enc, emb)
    closest_indices = jnp.argmax(cos, axis=1)  # [B, H, W]
    flat_idx = closest_indices.reshape(-1)
    latents = emb[closest_indices]  # [B, H, W, d] gather from codebook
    latents = jnp.transpose(latents, (0, 3, 1, 2))  # [B, d, H, W]
    loss_quantization = jnp.mean((enc - latents) ** 2)
    latents_st = enc + jax.lax.stop_gradient(latents - enc)
    out = jnp.einsum('bdhw,od->bohw', latents_st, exp_w) + exp_b[None, :, None, None]
    usage = jnp.zeros((16384,), jnp.float32).at[flat_idx].add(1.0)
    usage = usage / flat_idx.shape[0]
    perplexity = jnp.exp(jnp.sum(-usage * jnp.log(usage + 1e-6)))
    return (out, closest_indices, loss_quantization, perplexity)

if __name__ == "__main__":
    import jax
    _d = setup_inputs()
    print(jax.jit(kernel)(*tuple(_d.values())))

</pallas_src>

<mosaic_0001>
#map = affine_map<(d0, d1) -> (0)>
#map1 = affine_map<(d0, d1) -> (0, 0)>
module attributes {stable_mosaic.version = 14 : i64} {
  func.func @body(%arg0: i32, %arg1: i32, %arg2: memref<4096xi32, #tpu.memory_space<hbm>>, %arg3: memref<4096x128xf32, #tpu.memory_space<hbm>>, %arg4: memref<4096x128xf32, #tpu.memory_space<hbm>>, %arg5: memref<2x16384xf32, #tpu.memory_space<hbm>>, %arg6: memref<128xi32, #tpu.memory_space<vmem>>, %arg7: memref<128xi32, #tpu.memory_space<vmem>>, %arg8: memref<128x128xf32, #tpu.memory_space<vmem>>, %arg9: memref<128xf32, #tpu.memory_space<vmem>>, %arg10: memref<1024xf32, #tpu.memory_space<vmem>>, %arg11: memref<16384xf32, #tpu.memory_space<vmem_shared>>, %arg12: memref<!tpu.dma_semaphore, #tpu.memory_space<semaphore_mem>>) attributes {dimension_semantics = [#tpu.dimension_semantics<core_parallel>, #tpu.dimension_semantics<subcore_parallel>], iteration_bounds = array<i64: 2, 16>, scalar_prefetch = 0 : i64, scratch_operands = 7 : i64, tpu.core_type = #tpu.core_type<sc_vector_subcore>, window_params = [{transform_indices = #map}, {transform_indices = #map1}, {transform_indices = #map1}, {transform_indices = #map1}]} {
    %mul3A = arith.constant 2 : i32
    %mul3A_0 = arith.muli %arg1, %mul3A : i32
    %add3A = arith.addi %mul3A_0, %arg0 : i32
    %mul3A_1 = arith.constant 128 : i32
    %mul3A_2 = arith.muli %add3A, %mul3A_1 : i32
    %broadcast_in_dim3A = arith.constant 0.000000e+00 : f32
    %broadcast_in_dim3A_3 = vector.broadcast %broadcast_in_dim3A : f32 to vector<16xf32>
    %swap3A = arith.constant 0 : index
    %swap3A_4 = tpu.vector_load %arg10[%swap3A] {strides = array<i32>} : memref<1024xf32, #tpu.memory_space<vmem>>, vector<16xf32>,
    %swap3A_5 = vector.shape_cast %swap3A_4 : vector<16xf32> to vector<16xf32>
    %swap3A_6 = vector.shape_cast %broadcast_in_dim3A_3 : vector<16xf32> to vector<16xf32>
    tpu.vector_store %arg10[%swap3A], %swap3A_6 {strides = array<i32>} : memref<1024xf32, #tpu.memory_space<vmem>>, vector<16xf32>,
    %broadcast_in_dim3A_7 = arith.constant 0.000000e+00 : f32
    %broadcast_in_dim3A_8 = vector.broadcast %broadcast_in_dim3A_7 : f32 to vector<16xf32>
    %swap3A_9 = arith.constant 16 : index
    %swap3A_10 = tpu.vector_load %arg10[%swap3A_9] {strides = array<i32>} : memref<1024xf32, #tpu.memory_space<vmem>>, vector<16xf32>,
    %swap3A_11 = vector.shape_cast %swap3A_10 : vector<16xf32> to vector<16xf32>
    %swap3A_12 = vector.shape_cast %broadcast_in_dim3A_8 : vector<16xf32> to vector<16xf32>
    tpu.vector_store %arg10[%swap3A_9], %swap3A_12 {strides = array<i32>} : memref<1024xf32, #tpu.memory_space<vmem>>, vector<16xf32>,
    %broadcast_in_dim3A_13 = arith.constant 0.000000e+00 : f32
    %broadcast_in_dim3A_14 = vector.broadcast %broadcast_in_dim3A_13 : f32 to vector<16xf32>
    %swap3A_15 = arith.constant 32 : index
    %swap3A_16 = tpu.vector_load %arg10[%swap3A_15] {strides = array<i32>} : memref<1024xf32, #tpu.memory_space<vmem>>, vector<16xf32>,
    %swap3A_17 = vector.shape_cast %swap3A_16 : vector<16xf32> to vector<16xf32>
    %swap3A_18 = vector.shape_cast %broadcast_in_dim3A_14 : vector<16xf32> to vector<16xf32>
    tpu.vector_store %arg10[%swap3A_15], %swap3A_18 {strides = array<i32>} : memref<1024xf32, #tpu.memory_space<vmem>>, vector<16xf32>,
    %broadcast_in_dim3A_19 = arith.constant 0.000000e+00 : f32
    %broadcast_in_dim3A_20 = vector.broadcast %broadcast_in_dim3A_19 : f32 to vector<16xf32>
    %swap3A_21 = arith.constant 48 : index
    %swap3A_22 = tpu.vector_load %arg10[%swap3A_21] {strides = array<i32>} : memref<1024xf32, #tpu.memory_space<vmem>>, vector<16xf32>,
    %swap3A_23 = vector.shape_cast %swap3A_22 : vector<16xf32> to vector<16xf32>
    %swap3A_24 = vector.shape_cast %broadcast_in_dim3A_20 : vector<16xf32> to vector<16xf32>
    tpu.vector_store %arg10[%swap3A_21], %swap3A_24 {strides = array<i32>} : memref<1024xf32, #tpu.memory_space<vmem>>, vector<16xf32>,
    %broadcast_in_dim3A_25 = arith.constant 0.000000e+00 : f32
    %broadcast_in_dim3A_26 = vector.broadcast %broadcast_in_dim3A_25 : f32 to vector<16xf32>
    %swap3A_27 = arith.constant 64 : index
    %swap3A_28 = tpu.vector_load %arg10[%swap3A_27] {strides = array<i32>} : memref<1024xf32, #tpu.memory_space<vmem>>, vector<16xf32>,
    %swap3A_29 = vector.shape_cast %swap3A_28 : vector<16xf32> to vector<16xf32>
    %swap3A_30 = vector.shape_cast %broadcast_in_dim3A_26 : vector<16xf32> to vector<16xf32>
    tpu.vector_store %arg10[%swap3A_27], %swap3A_30 {strides = array<i32>} : memref<1024xf32, #tpu.memory_space<vmem>>, vector<16xf32>,
    %broadcast_in_dim3A_31 = arith.constant 0.000000e+00 : f32
    %broadcast_in_dim3A_32 = vector.broadcast %broadcast_in_dim3A_31 : f32 to vector<16xf32>
    %swap3A_33 = arith.constant 80 : index
    %swap3A_34 = tpu.vector_load %arg10[%swap3A_33] {strides = array<i32>} : memref<1024xf32, #tpu.memory_space<vmem>>, vector<16xf32>,
    %swap3A_35 = vector.shape_cast %swap3A_34 : vector<16xf32> to vector<16xf32>
    %swap3A_36 = vector.shape_cast %broadcast_in_dim3A_32 : vector<16xf32> to vector<16xf32>
    tpu.vector_store %arg10[%swap3A_33], %swap3A_36 {strides = array<i32>} : memref<1024xf32, #tpu.memory_space<vmem>>, vector<16xf32>,
    %broadcast_in_dim3A_37 = arith.constant 0.000000e+00 : f32
    %broadcast_in_dim3A_38 = vector.broadcast %broadcast_in_dim3A_37 : f32 to vector<16xf32>
    %swap3A_39 = arith.constant 96 : index
    %swap3A_40 = tpu.vector_load %arg10[%swap3A_39] {strides = array<i32>} : memref<1024xf32, #tpu.memory_space<vmem>>, vector<16xf32>,
    %swap3A_41 = vector.shape_cast %swap3A_40 : vector<16xf32> to vector<16xf32>
    %swap3A_42 = vector.shape_cast %broadcast_in_dim3A_38 : vector<16xf32> to vector<16xf32>
    tpu.vector_store %arg10[%swap3A_39], %swap3A_42 {strides = array<i32>} : memref<1024xf32, #tpu.memory_space<vmem>>, vector<16xf32>,
    %broadcast_in_dim3A_43 = arith.constant 0.000000e+00 : f32
    %broadcast_in_dim3A_44 = vector.broadcast %broadcast_in_dim3A_43 : f32 to vector<16xf32>
    %swap3A_45 = arith.constant 112 : index
    %swap3A_46 = tpu.vector_load %arg10[%swap3A_45] {strides = array<i32>} : memref<1024xf32, #tpu.memory_space<vmem>>, vector<16xf32>,
    %swap3A_47 = vector.shape_cast %swap3A_46 : vector<16xf32> to vector<16xf32>
    %swap3A_48 = vector.shape_cast %broadcast_in_dim3A_44 : vector<16xf32> to vector<16xf32>
    tpu.vector_store %arg10[%swap3A_45], %swap3A_48 {strides = array<i32>} : memref<1024xf32, #tpu.memory_space<vmem>>, vector<16xf32>,
    %broadcast_in_dim3A_49 = arith.constant 0.000000e+00 : f32
    %broadcast_in_dim3A_50 = vector.broadcast %broadcast_in_dim3A_49 : f32 to vector<16xf32>
    %swap3A_51 = arith.constant 128 : index
    %swap3A_52 = tpu.vector_load %arg10[%swap3A_51] {strides = array<i32>} : memref<1024xf32, #tpu.memory_space<vmem>>, vector<16xf32>,
    %swap3A_53 = vector.shape_cast %swap3A_52 : vector<16xf32> to vector<16xf32>
    %swap3A_54 = vector.shape_cast %broadcast_in_dim3A_50 : vector<16xf32> to vector<16xf32>
    tpu.vector_store %arg10[%swap3A_51], %swap3A_54 {strides = array<i32>} : memref<1024xf32, #tpu.memory_space<vmem>>, vector<16xf32>,
    %broadcast_in_dim3A_55 = arith.constant 0.000000e+00 : f32
    %broadcast_in_dim3A_56 = vector.broadcast %broadcast_in_dim3A_55 : f32 to vector<16xf32>
    %swap3A_57 = arith.constant 144 : index
    %swap3A_58 = tpu.vector_load %arg10[%swap3A_57] {strides = array<i32>} : memref<1024xf32, #tpu.memory_space<vmem>>, vector<16xf32>,
    %swap3A_59 = vector.shape_cast %swap3A_58 : vector<16xf32> to vector<16xf32>
    %swap3A_60 = vector.shape_cast %broadcast_in_dim3A_56 : vector<16xf32> to vector<16xf32>
    tpu.vector_store %arg10[%swap3A_57], %swap3A_60 {strides = array<i32>} : memref<1024xf32, #tpu.memory_space<vmem>>, vector<16xf32>,
    %broadcast_in_dim3A_61 = arith.constant 0.000000e+00 : f32
    %broadcast_in_dim3A_62 = vector.broadcast %broadcast_in_dim3A_61 : f32 to vector<16xf32>
    %swap3A_63 = arith.constant 160 : index
    %swap3A_64 = tpu.vector_load %arg10[%swap3A_63] {strides = array<i32>} : memref<1024xf32, #tpu.memory_space<vmem>>, vector<16xf32>,
    %swap3A_65 = vector.shape_cast %swap3A_64 : vector<16xf32> to vector<16xf32>
    %swap3A_66 = vector.shape_cast %broadcast_in_dim3A_62 : vector<16xf32> to vector<16xf32>
    tpu.vector_store %arg10[%swap3A_63], %swap3A_66 {strides = array<i32>} : memref<1024xf32, #tpu.memory_space<vmem>>, vector<16xf32>,
    %broadcast_in_dim3A_67 = arith.constant 0.000000e+00 : f32
    %broadcast_in_dim3A_68 = vector.broadcast %broadcast_in_dim3A_67 : f32 to vector<16xf32>
    %swap3A_69 = arith.constant 176 : index
    %swap3A_70 = tpu.vector_load %arg10[%swap3A_69] {strides = array<i32>} : memref<1024xf32, #tpu.memory_space<vmem>>, vector<16xf32>,
    %swap3A_71 = vector.shape_cast %swap3A_70 : vector<16xf32> to vector<16xf32>
    %swap3A_72 = vector.shape_cast %broadcast_in_dim3A_68 : vector<16xf32> to vector<16xf32>
    tpu.vector_store %arg10[%swap3A_69], %swap3A_72 {strides = array<i32>} : memref<1024xf32, #tpu.memory_space<vmem>>, vector<16xf32>,
    %broadcast_in_dim3A_73 = arith.constant 0.000000e+00 : f32
    %broadcast_in_dim3A_74 = vector.broadcast %broadcast_in_dim3A_73 : f32 to vector<16xf32>
    %swap3A_75 = arith.constant 192 : index
    %swap3A_76 = tpu.vector_load %arg10[%swap3A_75] {strides = array<i32>} : memref<1024xf32, #tpu.memory_space<vmem>>, vector<16xf32>,
    %swap3A_77 = vector.shape_cast %swap3A_76 : vector<16xf32> to vector<16xf32>
    %swap3A_78 = vector.shape_cast %broadcast_in_dim3A_74 : vector<16xf32> to vector<16xf32>
    tpu.vector_store %arg10[%swap3A_75], %swap3A_78 {strides = array<i32>} : memref<1024xf32, #tpu.memory_space<vmem>>, vector<16xf32>,
    %broadcast_in_dim3A_79 = arith.constant 0.000000e+00 : f32
    %broadcast_in_dim3A_80 = vector.broadcast %broadcast_in_dim3A_79 : f32 to vector<16xf32>
    %swap3A_81 = arith.constant 208 : index
    %swap3A_82 = tpu.vector_load %arg10[%swap3A_81] {strides = array<i32>} : memref<1024xf32, #tpu.memory_space<vmem>>, vector<16xf32>,
    %swap3A_83 = vector.shape_cast %swap3A_82 : vector<16xf32> to vector<16xf32>
    %swap3A_84 = vector.shape_cast %broadcast_in_dim3A_80 : vector<16xf32> to vector<16xf32>
    tpu.vector_store %arg10[%swap3A_81], %swap3A_84 {strides = array<i32>} : memref<1024xf32, #tpu.memory_space<vmem>>, vector<16xf32>,
    %broadcast_in_dim3A_85 = arith.constant 0.000000e+00 : f32
    %broadcast_in_dim3A_86 = vector.broadcast %broadcast_in_dim3A_85 : f32 to vector<16xf32>
    %swap3A_87 = arith.constant 224 : index
    %swap3A_88 = tpu.vector_load %arg10[%swap3A_87] {strides = array<i32>} : memref<1024xf32, #tpu.memory_space<vmem>>, vector<16xf32>,
    %swap3A_89 = vector.shape_cast %swap3A_88 : vector<16xf32> to vector<16xf32>
    %swap3A_90 = vector.shape_cast %broadcast_in_dim3A_86 : vector<16xf32> to vector<16xf32>
    tpu.vector_store %arg10[%swap3A_87], %swap3A_90 {strides = array<i32>} : memref<1024xf32, #tpu.memory_space<vmem>>, vector<16xf32>,
    %broadcast_in_dim3A_91 = arith.constant 0.000000e+00 : f32
    %broadcast_in_dim3A_92 = vector.broadcast %broadcast_in_dim3A_91 : f32 to vector<16xf32>
    %swap3A_93 = arith.constant 240 : index
    %swap3A_94 = tpu.vector_load %arg10[%swap3A_93] {strides = array<i32>} : memref<1024xf32, #tpu.memory_space<vmem>>, vector<16xf32>,
    %swap3A_95 = vector.shape_cast %swap3A_94 : vector<16xf32> to vector<16xf32>
    %swap3A_96 = vector.shape_cast %broadcast_in_dim3A_92 : vector<16xf32> to vector<16xf32>
    tpu.vector_store %arg10[%swap3A_93], %swap3A_96 {strides = array<i32>} : memref<1024xf32, #tpu.memory_space<vmem>>, vector<16xf32>,
    %broadcast_in_dim3A_97 = arith.constant 0.000000e+00 : f32
    %broadcast_in_dim3A_98 = vector.broadcast %broadcast_in_dim3A_97 : f32 to vector<16xf32>
    %swap3A_99 = arith.constant 256 : index
    %swap3A_100 = tpu.vector_load %arg10[%swap3A_99] {strides = array<i32>} : memref<1024xf32, #tpu.memory_space<vmem>>, vector<16xf32>,
    %swap3A_101 = vector.shape_cast %swap3A_100 : vector<16xf32> to vector<16xf32>
    %swap3A_102 = vector.shape_cast %broadcast_in_dim3A_98 : vector<16xf32> to vector<16xf32>
    tpu.vector_store %arg10[%swap3A_99], %swap3A_102 {strides = array<i32>} : memref<1024xf32, #tpu.memory_space<vmem>>, vector<16xf32>,
    %broadcast_in_dim3A_103 = arith.constant 0.000000e+00 : f32
    %broadcast_in_dim3A_104 = vector.broadcast %broadcast_in_dim3A_103 : f32 to vector<16xf32>
    %swap3A_105 = arith.constant 272 : index
    %swap3A_106 = tpu.vector_load %arg10[%swap3A_105] {strides = array<i32>} : memref<1024xf32, #tpu.memory_space<vmem>>, vector<16xf32>,
    %swap3A_107 = vector.shape_cast %swap3A_106 : vector<16xf32> to vector<16xf32>
    %swap3A_108 = vector.shape_cast %broadcast_in_dim3A_104 : vector<16xf32> to vector<16xf32>
    tpu.vector_store %arg10[%swap3A_105], %swap3A_108 {strides = array<i32>} : memref<1024xf32, #tpu.memory_space<vmem>>, vector<16xf32>,
    %broadcast_in_dim3A_109 = arith.constant 0.000000e+00 : f32
    %broadcast_in_dim3A_110 = vector.broadcast %broadcast_in_dim3A_109 : f32 to vector<16xf32>
    %swap3A_111 = arith.constant 288 : index
    %swap3A_112 = tpu.vector_load %arg10[%swap3A_111] {strides = array<i32>} : memref<1024xf32, #tpu.memory_space<vmem>>, vector<16xf32>,
    %swap3A_113 = vector.shape_cast %swap3A_112 : vector<16xf32> to vector<16xf32>
    %swap3A_114 = vector.shape_cast %broadcast_in_dim3A_110 : vector<16xf32> to vector<16xf32>
    tpu.vector_store %arg10[%swap3A_111], %swap3A_114 {strides = array<i32>} : memref<1024xf32, #tpu.memory_space<vmem>>, vector<16xf32>,
    %broadcast_in_dim3A_115 = arith.constant 0.000000e+00 : f32
    %broadcast_in_dim3A_116 = vector.broadcast %broadcast_in_dim3A_115 : f32 to vector<16xf32>
    %swap3A_117 = arith.constant 304 : index
    %swap3A_118 = tpu.vector_load %arg10[%swap3A_117] {strides = array<i32>} : memref<1024xf32, #tpu.memory_space<vmem>>, vector<16xf32>,
    %swap3A_119 = vector.shape_cast %swap3A_118 : vector<16xf32> to vector<16xf32>
    %swap3A_120 = vector.shape_cast %broadcast_in_dim3A_116 : vector<16xf32> to vector<16xf32>
    tpu.vector_store %arg10[%swap3A_117], %swap3A_120 {strides = array<i32>} : memref<1024xf32, #tpu.memory_space<vmem>>, vector<16xf32>,
    %broadcast_in_dim3A_121 = arith.constant 0.000000e+00 : f32
    %broadcast_in_dim3A_122 = vector.broadcast %broadcast_in_dim3A_121 : f32 to vector<16xf32>
    %swap3A_123 = arith.constant 320 : index
    %swap3A_124 = tpu.vector_load %arg10[%swap3A_123] {strides = array<i32>} : memref<1024xf32, #tpu.memory_space<vmem>>, vector<16xf32>,
    %swap3A_125 = vector.shape_cast %swap3A_124 : vector<16xf32> to vector<16xf32>
    %swap3A_126 = vector.shape_cast %broadcast_in_dim3A_122 : vector<16xf32> to vector<16xf32>
    tpu.vector_store %arg10[%swap3A_123], %swap3A_126 {strides = array<i32>} : memref<1024xf32, #tpu.memory_space<vmem>>, vector<16xf32>,
    %broadcast_in_dim3A_127 = arith.constant 0.000000e+00 : f32
    %broadcast_in_dim3A_128 = vector.broadcast %broadcast_in_dim3A_127 : f32 to vector<16xf32>
    %swap3A_129 = arith.constant 336 : index
    %swap3A_130 = tpu.vector_load %arg10[%swap3A_129] {strides = array<i32>} : memref<1024xf32, #tpu.memory_space<vmem>>, vector<16xf32>,
    %swap3A_131 = vector.shape_cast %swap3A_130 : vector<16xf32> to vector<16xf32>
    %swap3A_132 = vector.shape_cast %broadcast_in_dim3A_128 : vector<16xf32> to vector<16xf32>
    tpu.vector_store %arg10[%swap3A_129], %swap3A_132 {strides = array<i32>} : memref<1024xf32, #tpu.memory_space<vmem>>, vector<16xf32>,
    %broadcast_in_dim3A_133 = arith.constant 0.000000e+00 : f32
    %broadcast_in_dim3A_134 = vector.broadcast %broadcast_in_dim3A_133 : f32 to vector<16xf32>
    %swap3A_135 = arith.constant 352 : index
    %swap3A_136 = tpu.vector_load %arg10[%swap3A_135] {strides = array<i32>} : memref<1024xf32, #tpu.memory_space<vmem>>, vector<16xf32>,
    %swap3A_137 = vector.shape_cast %swap3A_136 : vector<16xf32> to vector<16xf32>
    %swap3A_138 = vector.shape_cast %broadcast_in_dim3A_134 : vector<16xf32> to vector<16xf32>
    tpu.vector_store %arg10[%swap3A_135], %swap3A_138 {strides = array<i32>} : memref<1024xf32, #tpu.memory_space<vmem>>, vector<16xf32>,
    %broadcast_in_dim3A_139 = arith.constant 0.000000e+00 : f32
    %broadcast_in_dim3A_140 = vector.broadcast %broadcast_in_dim3A_139 : f32 to vector<16xf32>
    %swap3A_141 = arith.constant 368 : index
    %swap3A_142 = tpu.vector_load %arg10[%swap3A_141] {strides = array<i32>} : memref<1024xf32, #tpu.memory_space<vmem>>, vector<16xf32>,
    %swap3A_143 = vector.shape_cast %swap3A_142 : vector<16xf32> to vector<16xf32>
    %swap3A_144 = vector.shape_cast %broadcast_in_dim3A_140 : vector<16xf32> to vector<16xf32>
    tpu.vector_store %arg10[%swap3A_141], %swap3A_144 {strides = array<i32>} : memref<1024xf32, #tpu.memory_space<vmem>>, vector<16xf32>,
    %broadcast_in_dim3A_145 = arith.constant 0.000000e+00 : f32
    %broadcast_in_dim3A_146 = vector.broadcast %broadcast_in_dim3A_145 : f32 to vector<16xf32>
    %swap3A_147 = arith.constant 384 : index
    %swap3A_148 = tpu.vector_load %arg10[%swap3A_147] {strides = array<i32>} : memref<1024xf32, #tpu.memory_space<vmem>>, vector<16xf32>,
    %swap3A_149 = vector.shape_cast %swap3A_148 : vector<16xf32> to vector<16xf32>
    %swap3A_150 = vector.shape_cast %broadcast_in_dim3A_146 : vector<16xf32> to vector<16xf32>
    tpu.vector_store %arg10[%swap3A_147], %swap3A_150 {strides = array<i32>} : memref<1024xf32, #tpu.memory_space<vmem>>, vector<16xf32>,
    %broadcast_in_dim3A_151 = arith.constant 0.000000e+00 : f32
    %broadcast_in_dim3A_152 = vector.broadcast %broadcast_in_dim3A_151 : f32 to vector<16xf32>
    %swap3A_153 = arith.constant 400 : index
    %swap3A_154 = tpu.vector_load %arg10[%swap3A_153] {strides = array<i32>} : memref<1024xf32, #tpu.memory_space<vmem>>, vector<16xf32>,
    %swap3A_155 = vector.shape_cast %swap3A_154 : vector<16xf32> to vector<16xf32>
    %swap3A_156 = vector.shape_cast %broadcast_in_dim3A_152 : vector<16xf32> to vector<16xf32>
    tpu.vector_store %arg10[%swap3A_153], %swap3A_156 {strides = array<i32>} : memref<1024xf32, #tpu.memory_space<vmem>>, vector<16xf32>,
    %broadcast_in_dim3A_157 = arith.constant 0.000000e+00 : f32
    %broadcast_in_dim3A_158 = vector.broadcast %broadcast_in_dim3A_157 : f32 to vector<16xf32>
    %swap3A_159 = arith.constant 416 : index
    %swap3A_160 = tpu.vector_load %arg10[%swap3A_159] {strides = array<i32>} : memref<1024xf32, #tpu.memory_space<vmem>>, vector<16xf32>,
    %swap3A_161 = vector.shape_cast %swap3A_160 : vector<16xf32> to vector<16xf32>
    %swap3A_162 = vector.shape_cast %broadcast_in_dim3A_158 : vector<16xf32> to vector<16xf32>
    tpu.vector_store %arg10[%swap3A_159], %swap3A_162 {strides = array<i32>} : memref<1024xf32, #tpu.memory_space<vmem>>, vector<16xf32>,
    %broadcast_in_dim3A_163 = arith.constant 0.000000e+00 : f32
    %broadcast_in_dim3A_164 = vector.broadcast %broadcast_in_dim3A_163 : f32 to vector<16xf32>
    %swap3A_165 = arith.constant 432 : index
    %swap3A_166 = tpu.vector_load %arg10[%swap3A_165] {strides = array<i32>} : memref<1024xf32, #tpu.memory_space<vmem>>, vector<16xf32>,
    %swap3A_167 = vector.shape_cast %swap3A_166 : vector<16xf32> to vector<16xf32>
    %swap3A_168 = vector.shape_cast %broadcast_in_dim3A_164 : vector<16xf32> to vector<16xf32>
    tpu.vector_store %arg10[%swap3A_165], %swap3A_168 {strides = array<i32>} : memref<1024xf32, #tpu.memory_space<vmem>>, vector<16xf32>,
    %broadcast_in_dim3A_169 = arith.constant 0.000000e+00 : f32
    %broadcast_in_dim3A_170 = vector.broadcast %broadcast_in_dim3A_169 : f32 to vector<16xf32>
    %swap3A_171 = arith.constant 448 : index
    %swap3A_172 = tpu.vector_load %arg10[%swap3A_171] {strides = array<i32>} : memref<1024xf32, #tpu.memory_space<vmem>>, vector<16xf32>,
    %swap3A_173 = vector.shape_cast %swap3A_172 : vector<16xf32> to vector<16xf32>
    %swap3A_174 = vector.shape_cast %broadcast_in_dim3A_170 : vector<16xf32> to vector<16xf32>
    tpu.vector_store %arg10[%swap3A_171], %swap3A_174 {strides = array<i32>} : memref<1024xf32, #tpu.memory_space<vmem>>, vector<16xf32>,
    %broadcast_in_dim3A_175 = arith.constant 0.000000e+00 : f32
    %broadcast_in_dim3A_176 = vector.broadcast %broadcast_in_dim3A_175 : f32 to vector<16xf32>
    %swap3A_177 = arith.constant 464 : index
    %swap3A_178 = tpu.vector_load %arg10[%swap3A_177] {strides = array<i32>} : memref<1024xf32, #tpu.memory_space<vmem>>, vector<16xf32>,
    %swap3A_179 = vector.shape_cast %swap3A_178 : vector<16xf32> to vector<16xf32>
    %swap3A_180 = vector.shape_cast %broadcast_in_dim3A_176 : vector<16xf32> to vector<16xf32>
    tpu.vector_store %arg10[%swap3A_177], %swap3A_180 {strides = array<i32>} : memref<1024xf32, #tpu.memory_space<vmem>>, vector<16xf32>,
    %broadcast_in_dim3A_181 = arith.constant 0.000000e+00 : f32
    %broadcast_in_dim3A_182 = vector.broadcast %broadcast_in_dim3A_181 : f32 to vector<16xf32>
    %swap3A_183 = arith.constant 480 : index
    %swap3A_184 = tpu.vector_load %arg10[%swap3A_183] {strides = array<i32>} : memref<1024xf32, #tpu.memory_space<vmem>>, vector<16xf32>,
    %swap3A_185 = vector.shape_cast %swap3A_184 : vector<16xf32> to vector<16xf32>
    %swap3A_186 = vector.shape_cast %broadcast_in_dim3A_182 : vector<16xf32> to vector<16xf32>
    tpu.vector_store %arg10[%swap3A_183], %swap3A_186 {strides = array<i32>} : memref<1024xf32, #tpu.memory_space<vmem>>, vector<16xf32>,
    %broadcast_in_dim3A_187 = arith.constant 0.000000e+00 : f32
    %broadcast_in_dim3A_188 = vector.broadcast %broadcast_in_dim3A_187 : f32 to vector<16xf32>
    %swap3A_189 = arith.constant 496 : index
    %swap3A_190 = tpu.vector_load %arg10[%swap3A_189] {strides = array<i32>} : memref<1024xf32, #tpu.memory_space<vmem>>, vector<16xf32>,
    %swap3A_191 = vector.shape_cast %swap3A_190 : vector<16xf32> to vector<16xf32>
    %swap3A_192 = vector.shape_cast %broadcast_in_dim3A_188 : vector<16xf32> to vector<16xf32>
    tpu.vector_store %arg10[%swap3A_189], %swap3A_192 {strides = array<i32>} : memref<1024xf32, #tpu.memory_space<vmem>>, vector<16xf32>,
    %broadcast_in_dim3A_193 = arith.constant 0.000000e+00 : f32
    %broadcast_in_dim3A_194 = vector.broadcast %broadcast_in_dim3A_193 : f32 to vector<16xf32>
    %swap3A_195 = arith.constant 512 : index
    %swap3A_196 = tpu.vector_load %arg10[%swap3A_195] {strides = array<i32>} : memref<1024xf32, #tpu.memory_space<vmem>>, vector<16xf32>,
    %swap3A_197 = vector.shape_cast %swap3A_196 : vector<16xf32> to vector<16xf32>
    %swap3A_198 = vector.shape_cast %broadcast_in_dim3A_194 : vector<16xf32> to vector<16xf32>
    tpu.vector_store %arg10[%swap3A_195], %swap3A_198 {strides = array<i32>} : memref<1024xf32, #tpu.memory_space<vmem>>, vector<16xf32>,
    %broadcast_in_dim3A_199 = arith.constant 0.000000e+00 : f32
    %broadcast_in_dim3A_200 = vector.broadcast %broadcast_in_dim3A_199 : f32 to vector<16xf32>
    %swap3A_201 = arith.constant 528 : index
    %swap3A_202 = tpu.vector_load %arg10[%swap3A_201] {strides = array<i32>} : memref<1024xf32, #tpu.memory_space<vmem>>, vector<16xf32>,
    %swap3A_203 = vector.shape_cast %swap3A_202 : vector<16xf32> to vector<16xf32>
    %swap3A_204 = vector.shape_cast %broadcast_in_dim3A_200 : vector<16xf32> to vector<16xf32>
    tpu.vector_store %arg10[%swap3A_201], %swap3A_204 {strides = array<i32>} : memref<1024xf32, #tpu.memory_space<vmem>>, vector<16xf32>,
    %broadcast_in_dim3A_205 = arith.constant 0.000000e+00 : f32
    %broadcast_in_dim3A_206 = vector.broadcast %broadcast_in_dim3A_205 : f32 to vector<16xf32>
    %swap3A_207 = arith.constant 544 : index
    %swap3A_208 = tpu.vector_load %arg10[%swap3A_207] {strides = array<i32>} : memref<1024xf32, #tpu.memory_space<vmem>>, vector<16xf32>,
    %swap3A_209 = vector.shape_cast %swap3A_208 : vector<16xf32> to vector<16xf32>
    %swap3A_210 = vector.shape_cast %broadcast_in_dim3A_206 : vector<16xf32> to vector<16xf32>
    tpu.vector_store %arg10[%swap3A_207], %swap3A_210 {strides = array<i32>} : memref<1024xf32, #tpu.memory_space<vmem>>, vector<16xf32>,
    %broadcast_in_dim3A_211 = arith.constant 0.000000e+00 : f32
    %broadcast_in_dim3A_212 = vector.broadcast %broadcast_in_dim3A_211 : f32 to vector<16xf32>
    %swap3A_213 = arith.constant 560 : index
    %swap3A_214 = tpu.vector_load %arg10[%swap3A_213] {strides = array<i32>} : memref<1024xf32, #tpu.memory_space<vmem>>, vector<16xf32>,
    %swap3A_215 = vector.shape_cast %swap3A_214 : vector<16xf32> to vector<16xf32>
    %swap3A_216 = vector.shape_cast %broadcast_in_dim3A_212 : vector<16xf32> to vector<16xf32>
    tpu.vector_store %arg10[%swap3A_213], %swap3A_216 {strides = array<i32>} : memref<1024xf32, #tpu.memory_space<vmem>>, vector<16xf32>,
    %broadcast_in_dim3A_217 = arith.constant 0.000000e+00 : f32
    %broadcast_in_dim3A_218 = vector.broadcast %broadcast_in_dim3A_217 : f32 to vector<16xf32>
    %swap3A_219 = arith.constant 576 : index
    %swap3A_220 = tpu.vector_load %arg10[%swap3A_219] {strides = array<i32>} : memref<1024xf32, #tpu.memory_space<vmem>>, vector<16xf32>,
    %swap3A_221 = vector.shape_cast %swap3A_220 : vector<16xf32> to vector<16xf32>
    %swap3A_222 = vector.shape_cast %broadcast_in_dim3A_218 : vector<16xf32> to vector<16xf32>
    tpu.vector_store %arg10[%swap3A_219], %swap3A_222 {strides = array<i32>} : memref<1024xf32, #tpu.memory_space<vmem>>, vector<16xf32>,
    %broadcast_in_dim3A_223 = arith.constant 0.000000e+00 : f32
    %broadcast_in_dim3A_224 = vector.broadcast %broadcast_in_dim3A_223 : f32 to vector<16xf32>
    %swap3A_225 = arith.constant 592 : index
    %swap3A_226 = tpu.vector_load %arg10[%swap3A_225] {strides = array<i32>} : memref<1024xf32, #tpu.memory_space<vmem>>, vector<16xf32>,
    %swap3A_227 = vector.shape_cast %swap3A_226 : vector<16xf32> to vector<16xf32>
    %swap3A_228 = vector.shape_cast %broadcast_in_dim3A_224 : vector<16xf32> to vector<16xf32>
    tpu.vector_store %arg10[%swap3A_225], %swap3A_228 {strides = array<i32>} : memref<1024xf32, #tpu.memory_space<vmem>>, vector<16xf32>,
    %broadcast_in_dim3A_229 = arith.constant 0.000000e+00 : f32
    %broadcast_in_dim3A_230 = vector.broadcast %broadcast_in_dim3A_229 : f32 to vector<16xf32>
    %swap3A_231 = arith.constant 608 : index
    %swap3A_232 = tpu.vector_load %arg10[%swap3A_231] {strides = array<i32>} : memref<1024xf32, #tpu.memory_space<vmem>>, vector<16xf32>,
    %swap3A_233 = vector.shape_cast %swap3A_232 : vector<16xf32> to vector<16xf32>
    %swap3A_234 = vector.shape_cast %broadcast_in_dim3A_230 : vector<16xf32> to vector<16xf32>
    tpu.vector_store %arg10[%swap3A_231], %swap3A_234 {strides = array<i32>} : memref<1024xf32, #tpu.memory_space<vmem>>, vector<16xf32>,
    %broadcast_in_dim3A_235 = arith.constant 0.000000e+00 : f32
    %broadcast_in_dim3A_236 = vector.broadcast %broadcast_in_dim3A_235 : f32 to vector<16xf32>
    %swap3A_237 = arith.constant 624 : index
    %swap3A_238 = tpu.vector_load %arg10[%swap3A_237] {strides = array<i32>} : memref<1024xf32, #tpu.memory_space<vmem>>, vector<16xf32>,
    %swap3A_239 = vector.shape_cast %swap3A_238 : vector<16xf32> to vector<16xf32>
    %swap3A_240 = vector.shape_cast %broadcast_in_dim3A_236 : vector<16xf32> to vector<16xf32>
    tpu.vector_store %arg10[%swap3A_237], %swap3A_240 {strides = array<i32>} : memref<1024xf32, #tpu.memory_space<vmem>>, vector<16xf32>,
    %broadcast_in_dim3A_241 = arith.constant 0.000000e+00 : f32
    %broadcast_in_dim3A_242 = vector.broadcast %broadcast_in_dim3A_241 : f32 to vector<16xf32>
    %swap3A_243 = arith.constant 640 : index
    %swap3A_244 = tpu.vector_load %arg10[%swap3A_243] {strides = array<i32>} : memref<1024xf32, #tpu.memory_space<vmem>>, vector<16xf32>,
    %swap3A_245 = vector.shape_cast %swap3A_244 : vector<16xf32> to vector<16xf32>
    %swap3A_246 = vector.shape_cast %broadcast_in_dim3A_242 : vector<16xf32> to vector<16xf32>
    tpu.vector_store %arg10[%swap3A_243], %swap3A_246 {strides = array<i32>} : memref<1024xf32, #tpu.memory_space<vmem>>, vector<16xf32>,
    %broadcast_in_dim3A_247 = arith.constant 0.000000e+00 : f32
    %broadcast_in_dim3A_248 = vector.broadcast %broadcast_in_dim3A_247 : f32 to vector<16xf32>
    %swap3A_249 = arith.constant 656 : index
    %swap3A_250 = tpu.vector_load %arg10[%swap3A_249] {strides = array<i32>} : memref<1024xf32, #tpu.memory_space<vmem>>, vector<16xf32>,
    %swap3A_251 = vector.shape_cast %swap3A_250 : vector<16xf32> to vector<16xf32>
    %swap3A_252 = vector.shape_cast %broadcast_in_dim3A_248 : vector<16xf32> to vector<16xf32>
    tpu.vector_store %arg10[%swap3A_249], %swap3A_252 {strides = array<i32>} : memref<1024xf32, #tpu.memory_space<vmem>>, vector<16xf32>,
    %broadcast_in_dim3A_253 = arith.constant 0.000000e+00 : f32
    %broadcast_in_dim3A_254 = vector.broadcast %broadcast_in_dim3A_253 : f32 to vector<16xf32>
    %swap3A_255 = arith.constant 672 : index
    %swap3A_256 = tpu.vector_load %arg10[%swap3A_255] {strides = array<i32>} : memref<1024xf32, #tpu.memory_space<vmem>>, vector<16xf32>,
    %swap3A_257 = vector.shape_cast %swap3A_256 : vector<16xf32> to vector<16xf32>
    %swap3A_258 = vector.shape_cast %broadcast_in_dim3A_254 : vector<16xf32> to vector<16xf32>
    tpu.vector_store %arg10[%swap3A_255], %swap3A_258 {strides = array<i32>} : memref<1024xf32, #tpu.memory_space<vmem>>, vector<16xf32>,
    %broadcast_in_dim3A_259 = arith.constant 0.000000e+00 : f32
    %broadcast_in_dim3A_260 = vector.broadcast %broadcast_in_dim3A_259 : f32 to vector<16xf32>
    %swap3A_261 = arith.constant 688 : index
    %swap3A_262 = tpu.vector_load %arg10[%swap3A_261] {strides = array<i32>} : memref<1024xf32, #tpu.memory_space<vmem>>, vector<16xf32>,
    %swap3A_263 = vector.shape_cast %swap3A_262 : vector<16xf32> to vector<16xf32>
    %swap3A_264 = vector.shape_cast %broadcast_in_dim3A_260 : vector<16xf32> to vector<16xf32>
    tpu.vector_store %arg10[%swap3A_261], %swap3A_264 {strides = array<i32>} : memref<1024xf32, #tpu.memory_space<vmem>>, vector<16xf32>,
    %broadcast_in_dim3A_265 = arith.constant 0.000000e+00 : f32
    %broadcast_in_dim3A_266 = vector.broadcast %broadcast_in_dim3A_265 : f32 to vector<16xf32>
    %swap3A_267 = arith.constant 704 : index
    %swap3A_268 = tpu.vector_load %arg10[%swap3A_267] {strides = array<i32>} : memref<1024xf32, #tpu.memory_space<vmem>>, vector<16xf32>,
    %swap3A_269 = vector.shape_cast %swap3A_268 : vector<16xf32> to vector<16xf32>
    %swap3A_270 = vector.shape_cast %broadcast_in_dim3A_266 : vector<16xf32> to vector<16xf32>
    tpu.vector_store %arg10[%swap3A_267], %swap3A_270 {strides = array<i32>} : memref<1024xf32, #tpu.memory_space<vmem>>, vector<16xf32>,
    %broadcast_in_dim3A_271 = arith.constant 0.000000e+00 : f32
    %broadcast_in_dim3A_272 = vector.broadcast %broadcast_in_dim3A_271 : f32 to vector<16xf32>
    %swap3A_273 = arith.constant 720 : index
    %swap3A_274 = tpu.vector_load %arg10[%swap3A_273] {strides = array<i32>} : memref<1024xf32, #tpu.memory_space<vmem>>, vector<16xf32>,
    %swap3A_275 = vector.shape_cast %swap3A_274 : vector<16xf32> to vector<16xf32>
    %swap3A_276 = vector.shape_cast %broadcast_in_dim3A_272 : vector<16xf32> to vector<16xf32>
    tpu.vector_store %arg10[%swap3A_273], %swap3A_276 {strides = array<i32>} : memref<1024xf32, #tpu.memory_space<vmem>>, vector<16xf32>,
    %broadcast_in_dim3A_277 = arith.constant 0.000000e+00 : f32
    %broadcast_in_dim3A_278 = vector.broadcast %broadcast_in_dim3A_277 : f32 to vector<16xf32>
    %swap3A_279 = arith.constant 736 : index
    %swap3A_280 = tpu.vector_load %arg10[%swap3A_279] {strides = array<i32>} : memref<1024xf32, #tpu.memory_space<vmem>>, vector<16xf32>,
    %swap3A_281 = vector.shape_cast %swap3A_280 : vector<16xf32> to vector<16xf32>
    %swap3A_282 = vector.shape_cast %broadcast_in_dim3A_278 : vector<16xf32> to vector<16xf32>
    tpu.vector_store %arg10[%swap3A_279], %swap3A_282 {strides = array<i32>} : memref<1024xf32, #tpu.memory_space<vmem>>, vector<16xf32>,
    %broadcast_in_dim3A_283 = arith.constant 0.000000e+00 : f32
    %broadcast_in_dim3A_284 = vector.broadcast %broadcast_in_dim3A_283 : f32 to vector<16xf32>
    %swap3A_285 = arith.constant 752 : index
    %swap3A_286 = tpu.vector_load %arg10[%swap3A_285] {strides = array<i32>} : memref<1024xf32, #tpu.memory_space<vmem>>, vector<16xf32>,
    %swap3A_287 = vector.shape_cast %swap3A_286 : vector<16xf32> to vector<16xf32>
    %swap3A_288 = vector.shape_cast %broadcast_in_dim3A_284 : vector<16xf32> to vector<16xf32>
    tpu.vector_store %arg10[%swap3A_285], %swap3A_288 {strides = array<i32>} : memref<1024xf32, #tpu.memory_space<vmem>>, vector<16xf32>,
    %broadcast_in_dim3A_289 = arith.constant 0.000000e+00 : f32
    %broadcast_in_dim3A_290 = vector.broadcast %broadcast_in_dim3A_289 : f32 to vector<16xf32>
    %swap3A_291 = arith.constant 768 : index
    %swap3A_292 = tpu.vector_load %arg10[%swap3A_291] {strides = array<i32>} : memref<1024xf32, #tpu.memory_space<vmem>>, vector<16xf32>,
    %swap3A_293 = vector.shape_cast %swap3A_292 : vector<16xf32> to vector<16xf32>
    %swap3A_294 = vector.shape_cast %broadcast_in_dim3A_290 : vector<16xf32> to vector<16xf32>
    tpu.vector_store %arg10[%swap3A_291], %swap3A_294 {strides = array<i32>} : memref<1024xf32, #tpu.memory_space<vmem>>, vector<16xf32>,
    %broadcast_in_dim3A_295 = arith.constant 0.000000e+00 : f32
    %broadcast_in_dim3A_296 = vector.broadcast %broadcast_in_dim3A_295 : f32 to vector<16xf32>
    %swap3A_297 = arith.constant 784 : index
    %swap3A_298 = tpu.vector_load %arg10[%swap3A_297] {strides = array<i32>} : memref<1024xf32, #tpu.memory_space<vmem>>, vector<16xf32>,
    %swap3A_299 = vector.shape_cast %swap3A_298 : vector<16xf32> to vector<16xf32>
    %swap3A_300 = vector.shape_cast %broadcast_in_dim3A_296 : vector<16xf32> to vector<16xf32>
    tpu.vector_store %arg10[%swap3A_297], %swap3A_300 {strides = array<i32>} : memref<1024xf32, #tpu.memory_space<vmem>>, vector<16xf32>,
    %broadcast_in_dim3A_301 = arith.constant 0.000000e+00 : f32
    %broadcast_in_dim3A_302 = vector.broadcast %broadcast_in_dim3A_301 : f32 to vector<16xf32>
    %swap3A_303 = arith.constant 800 : index
    %swap3A_304 = tpu.vector_load %arg10[%swap3A_303] {strides = array<i32>} : memref<1024xf32, #tpu.memory_space<vmem>>, vector<16xf32>,
    %swap3A_305 = vector.shape_cast %swap3A_304 : vector<16xf32> to vector<16xf32>
    %swap3A_306 = vector.shape_cast %broadcast_in_dim3A_302 : vector<16xf32> to vector<16xf32>
    tpu.vector_store %arg10[%swap3A_303], %swap3A_306 {strides = array<i32>} : memref<1024xf32, #tpu.memory_space<vmem>>, vector<16xf32>,
    %broadcast_in_dim3A_307 = arith.constant 0.000000e+00 : f32
    %broadcast_in_dim3A_308 = vector.broadcast %broadcast_in_dim3A_307 : f32 to vector<16xf32>
    %swap3A_309 = arith.constant 816 : index
    %swap3A_310 = tpu.vector_load %arg10[%swap3A_309] {strides = array<i32>} : memref<1024xf32, #tpu.memory_space<vmem>>, vector<16xf32>,
    %swap3A_311 = vector.shape_cast %swap3A_310 : vector<16xf32> to vector<16xf32>
    %swap3A_312 = vector.shape_cast %broadcast_in_dim3A_308 : vector<16xf32> to vector<16xf32>
    tpu.vector_store %arg10[%swap3A_309], %swap3A_312 {strides = array<i32>} : memref<1024xf32, #tpu.memory_space<vmem>>, vector<16xf32>,
    %broadcast_in_dim3A_313 = arith.constant 0.000000e+00 : f32
    %broadcast_in_dim3A_314 = vector.broadcast %broadcast_in_dim3A_313 : f32 to vector<16xf32>
    %swap3A_315 = arith.constant 832 : index
    %swap3A_316 = tpu.vector_load %arg10[%swap3A_315] {strides = array<i32>} : memref<1024xf32, #tpu.memory_space<vmem>>, vector<16xf32>,
    %swap3A_317 = vector.shape_cast %swap3A_316 : vector<16xf32> to vector<16xf32>
    %swap3A_318 = vector.shape_cast %broadcast_in_dim3A_314 : vector<16xf32> to vector<16xf32>
    tpu.vector_store %arg10[%swap3A_315], %swap3A_318 {strides = array<i32>} : memref<1024xf32, #tpu.memory_space<vmem>>, vector<16xf32>,
    %broadcast_in_dim3A_319 = arith.constant 0.000000e+00 : f32
    %broadcast_in_dim3A_320 = vector.broadcast %broadcast_in_dim3A_319 : f32 to vector<16xf32>
    %swap3A_321 = arith.constant 848 : index
    %swap3A_322 = tpu.vector_load %arg10[%swap3A_321] {strides = array<i32>} : memref<1024xf32, #tpu.memory_space<vmem>>, vector<16xf32>,
    %swap3A_323 = vector.shape_cast %swap3A_322 : vector<16xf32> to vector<16xf32>
    %swap3A_324 = vector.shape_cast %broadcast_in_dim3A_320 : vector<16xf32> to vector<16xf32>
    tpu.vector_store %arg10[%swap3A_321], %swap3A_324 {strides = array<i32>} : memref<1024xf32, #tpu.memory_space<vmem>>, vector<16xf32>,
    %broadcast_in_dim3A_325 = arith.constant 0.000000e+00 : f32
    %broadcast_in_dim3A_326 = vector.broadcast %broadcast_in_dim3A_325 : f32 to vector<16xf32>
    %swap3A_327 = arith.constant 864 : index
    %swap3A_328 = tpu.vector_load %arg10[%swap3A_327] {strides = array<i32>} : memref<1024xf32, #tpu.memory_space<vmem>>, vector<16xf32>,
    %swap3A_329 = vector.shape_cast %swap3A_328 : vector<16xf32> to vector<16xf32>
    %swap3A_330 = vector.shape_cast %broadcast_in_dim3A_326 : vector<16xf32> to vector<16xf32>
    tpu.vector_store %arg10[%swap3A_327], %swap3A_330 {strides = array<i32>} : memref<1024xf32, #tpu.memory_space<vmem>>, vector<16xf32>,
    %broadcast_in_dim3A_331 = arith.constant 0.000000e+00 : f32
    %broadcast_in_dim3A_332 = vector.broadcast %broadcast_in_dim3A_331 : f32 to vector<16xf32>
    %swap3A_333 = arith.constant 880 : index
    %swap3A_334 = tpu.vector_load %arg10[%swap3A_333] {strides = array<i32>} : memref<1024xf32, #tpu.memory_space<vmem>>, vector<16xf32>,
    %swap3A_335 = vector.shape_cast %swap3A_334 : vector<16xf32> to vector<16xf32>
    %swap3A_336 = vector.shape_cast %broadcast_in_dim3A_332 : vector<16xf32> to vector<16xf32>
    tpu.vector_store %arg10[%swap3A_333], %swap3A_336 {strides = array<i32>} : memref<1024xf32, #tpu.memory_space<vmem>>, vector<16xf32>,
    %broadcast_in_dim3A_337 = arith.constant 0.000000e+00 : f32
    %broadcast_in_dim3A_338 = vector.broadcast %broadcast_in_dim3A_337 : f32 to vector<16xf32>
    %swap3A_339 = arith.constant 896 : index
    %swap3A_340 = tpu.vector_load %arg10[%swap3A_339] {strides = array<i32>} : memref<1024xf32, #tpu.memory_space<vmem>>, vector<16xf32>,
    %swap3A_341 = vector.shape_cast %swap3A_340 : vector<16xf32> to vector<16xf32>
    %swap3A_342 = vector.shape_cast %broadcast_in_dim3A_338 : vector<16xf32> to vector<16xf32>
    tpu.vector_store %arg10[%swap3A_339], %swap3A_342 {strides = array<i32>} : memref<1024xf32, #tpu.memory_space<vmem>>, vector<16xf32>,
    %broadcast_in_dim3A_343 = arith.constant 0.000000e+00 : f32
    %broadcast_in_dim3A_344 = vector.broadcast %broadcast_in_dim3A_343 : f32 to vector<16xf32>
    %swap3A_345 = arith.constant 912 : index
    %swap3A_346 = tpu.vector_load %arg10[%swap3A_345] {strides = array<i32>} : memref<1024xf32, #tpu.memory_space<vmem>>, vector<16xf32>,
    %swap3A_347 = vector.shape_cast %swap3A_346 : vector<16xf32> to vector<16xf32>
    %swap3A_348 = vector.shape_cast %broadcast_in_dim3A_344 : vector<16xf32> to vector<16xf32>
    tpu.vector_store %arg10[%swap3A_345], %swap3A_348 {strides = array<i32>} : memref<1024xf32, #tpu.memory_space<vmem>>, vector<16xf32>,
    %broadcast_in_dim3A_349 = arith.constant 0.000000e+00 : f32
    %broadcast_in_dim3A_350 = vector.broadcast %broadcast_in_dim3A_349 : f32 to vector<16xf32>
    %swap3A_351 = arith.constant 928 : index
    %swap3A_352 = tpu.vector_load %arg10[%swap3A_351] {strides = array<i32>} : memref<1024xf32, #tpu.memory_space<vmem>>, vector<16xf32>,
    %swap3A_353 = vector.shape_cast %swap3A_352 : vector<16xf32> to vector<16xf32>
    %swap3A_354 = vector.shape_cast %broadcast_in_dim3A_350 : vector<16xf32> to vector<16xf32>
    tpu.vector_store %arg10[%swap3A_351], %swap3A_354 {strides = array<i32>} : memref<1024xf32, #tpu.memory_space<vmem>>, vector<16xf32>,
    %broadcast_in_dim3A_355 = arith.constant 0.000000e+00 : f32
    %broadcast_in_dim3A_356 = vector.broadcast %broadcast_in_dim3A_355 : f32 to vector<16xf32>
    %swap3A_357 = arith.constant 944 : index
    %swap3A_358 = tpu.vector_load %arg10[%swap3A_357] {strides = array<i32>} : memref<1024xf32, #tpu.memory_space<vmem>>, vector<16xf32>,
    %swap3A_359 = vector.shape_cast %swap3A_358 : vector<16xf32> to vector<16xf32>
    %swap3A_360 = vector.shape_cast %broadcast_in_dim3A_356 : vector<16xf32> to vector<16xf32>
    tpu.vector_store %arg10[%swap3A_357], %swap3A_360 {strides = array<i32>} : memref<1024xf32, #tpu.memory_space<vmem>>, vector<16xf32>,
    %broadcast_in_dim3A_361 = arith.constant 0.000000e+00 : f32
    %broadcast_in_dim3A_362 = vector.broadcast %broadcast_in_dim3A_361 : f32 to vector<16xf32>
    %swap3A_363 = arith.constant 960 : index
    %swap3A_364 = tpu.vector_load %arg10[%swap3A_363] {strides = array<i32>} : memref<1024xf32, #tpu.memory_space<vmem>>, vector<16xf32>,
    %swap3A_365 = vector.shape_cast %swap3A_364 : vector<16xf32> to vector<16xf32>
    %swap3A_366 = vector.shape_cast %broadcast_in_dim3A_362 : vector<16xf32> to vector<16xf32>
    tpu.vector_store %arg10[%swap3A_363], %swap3A_366 {strides = array<i32>} : memref<1024xf32, #tpu.memory_space<vmem>>, vector<16xf32>,
    %broadcast_in_dim3A_367 = arith.constant 0.000000e+00 : f32
    %broadcast_in_dim3A_368 = vector.broadcast %broadcast_in_dim3A_367 : f32 to vector<16xf32>
    %swap3A_369 = arith.constant 976 : index
    %swap3A_370 = tpu.vector_load %arg10[%swap3A_369] {strides = array<i32>} : memref<1024xf32, #tpu.memory_space<vmem>>, vector<16xf32>,
    %swap3A_371 = vector.shape_cast %swap3A_370 : vector<16xf32> to vector<16xf32>
    %swap3A_372 = vector.shape_cast %broadcast_in_dim3A_368 : vector<16xf32> to vector<16xf32>
    tpu.vector_store %arg10[%swap3A_369], %swap3A_372 {strides = array<i32>} : memref<1024xf32, #tpu.memory_space<vmem>>, vector<16xf32>,
    %broadcast_in_dim3A_373 = arith.constant 0.000000e+00 : f32
    %broadcast_in_dim3A_374 = vector.broadcast %broadcast_in_dim3A_373 : f32 to vector<16xf32>
    %swap3A_375 = arith.constant 992 : index
    %swap3A_376 = tpu.vector_load %arg10[%swap3A_375] {strides = array<i32>} : memref<1024xf32, #tpu.memory_space<vmem>>, vector<16xf32>,
    %swap3A_377 = vector.shape_cast %swap3A_376 : vector<16xf32> to vector<16xf32>
    %swap3A_378 = vector.shape_cast %broadcast_in_dim3A_374 : vector<16xf32> to vector<16xf32>
    tpu.vector_store %arg10[%swap3A_375], %swap3A_378 {strides = array<i32>} : memref<1024xf32, #tpu.memory_space<vmem>>, vector<16xf32>,
    %broadcast_in_dim3A_379 = arith.constant 0.000000e+00 : f32
    %broadcast_in_dim3A_380 = vector.broadcast %broadcast_in_dim3A_379 : f32 to vector<16xf32>
    %swap3A_381 = arith.constant 1008 : index
    %swap3A_382 = tpu.vector_load %arg10[%swap3A_381] {strides = array<i32>} : memref<1024xf32, #tpu.memory_space<vmem>>, vector<16xf32>,
    %swap3A_383 = vector.shape_cast %swap3A_382 : vector<16xf32> to vector<16xf32>
    %swap3A_384 = vector.shape_cast %broadcast_in_dim3A_380 : vector<16xf32> to vector<16xf32>
    tpu.vector_store %arg10[%swap3A_381], %swap3A_384 {strides = array<i32>} : memref<1024xf32, #tpu.memory_space<vmem>>, vector<16xf32>,
    %broadcast_in_dim3A_385 = arith.constant 1.000000e+00 : f32
    %broadcast_in_dim3A_386 = vector.broadcast %broadcast_in_dim3A_385 : f32 to vector<16xf32>
    %swap3A_387 = arith.constant 0 : index
    %swap3A_388 = tpu.vector_load %arg9[%swap3A_387] {strides = array<i32>} : memref<128xf32, #tpu.memory_space<vmem>>, vector<16xf32>,
    %swap3A_389 = vector.shape_cast %swap3A_388 : vector<16xf32> to vector<16xf32>
    %swap3A_390 = vector.shape_cast %broadcast_in_dim3A_386 : vector<16xf32> to vector<16xf32>
    tpu.vector_store %arg9[%swap3A_387], %swap3A_390 {strides = array<i32>} : memref<128xf32, #tpu.memory_space<vmem>>, vector<16xf32>,
    %broadcast_in_dim3A_391 = arith.constant 1.000000e+00 : f32
    %broadcast_in_dim3A_392 = vector.broadcast %broadcast_in_dim3A_391 : f32 to vector<16xf32>
    %swap3A_393 = arith.constant 16 : index
    %swap3A_394 = tpu.vector_load %arg9[%swap3A_393] {strides = array<i32>} : memref<128xf32, #tpu.memory_space<vmem>>, vector<16xf32>,
    %swap3A_395 = vector.shape_cast %swap3A_394 : vector<16xf32> to vector<16xf32>
    %swap3A_396 = vector.shape_cast %broadcast_in_dim3A_392 : vector<16xf32> to vector<16xf32>
    tpu.vector_store %arg9[%swap3A_393], %swap3A_396 {strides = array<i32>} : memref<128xf32, #tpu.memory_space<vmem>>, vector<16xf32>,
    %broadcast_in_dim3A_397 = arith.constant 1.000000e+00 : f32
    %broadcast_in_dim3A_398 = vector.broadcast %broadcast_in_dim3A_397 : f32 to vector<16xf32>
    %swap3A_399 = arith.constant 32 : index
    %swap3A_400 = tpu.vector_load %arg9[%swap3A_399] {strides = array<i32>} : memref<128xf32, #tpu.memory_space<vmem>>, vector<16xf32>,
    %swap3A_401 = vector.shape_cast %swap3A_400 : vector<16xf32> to vector<16xf32>
    %swap3A_402 = vector.shape_cast %broadcast_in_dim3A_398 : vector<16xf32> to vector<16xf32>
    tpu.vector_store %arg9[%swap3A_399], %swap3A_402 {strides = array<i32>} : memref<128xf32, #tpu.memory_space<vmem>>, vector<16xf32>,
    %broadcast_in_dim3A_403 = arith.constant 1.000000e+00 : f32
    %broadcast_in_dim3A_404 = vector.broadcast %broadcast_in_dim3A_403 : f32 to vector<16xf32>
    %swap3A_405 = arith.constant 48 : index
    %swap3A_406 = tpu.vector_load %arg9[%swap3A_405] {strides = array<i32>} : memref<128xf32, #tpu.memory_space<vmem>>, vector<16xf32>,
    %swap3A_407 = vector.shape_cast %swap3A_406 : vector<16xf32> to vector<16xf32>
    %swap3A_408 = vector.shape_cast %broadcast_in_dim3A_404 : vector<16xf32> to vector<16xf32>
    tpu.vector_store %arg9[%swap3A_405], %swap3A_408 {strides = array<i32>} : memref<128xf32, #tpu.memory_space<vmem>>, vector<16xf32>,
    %broadcast_in_dim3A_409 = arith.constant 1.000000e+00 : f32
    %broadcast_in_dim3A_410 = vector.broadcast %broadcast_in_dim3A_409 : f32 to vector<16xf32>
    %swap3A_411 = arith.constant 64 : index
    %swap3A_412 = tpu.vector_load %arg9[%swap3A_411] {strides = array<i32>} : memref<128xf32, #tpu.memory_space<vmem>>, vector<16xf32>,
    %swap3A_413 = vector.shape_cast %swap3A_412 : vector<16xf32> to vector<16xf32>
    %swap3A_414 = vector.shape_cast %broadcast_in_dim3A_410 : vector<16xf32> to vector<16xf32>
    tpu.vector_store %arg9[%swap3A_411], %swap3A_414 {strides = array<i32>} : memref<128xf32, #tpu.memory_space<vmem>>, vector<16xf32>,
    %broadcast_in_dim3A_415 = arith.constant 1.000000e+00 : f32
    %broadcast_in_dim3A_416 = vector.broadcast %broadcast_in_dim3A_415 : f32 to vector<16xf32>
    %swap3A_417 = arith.constant 80 : index
    %swap3A_418 = tpu.vector_load %arg9[%swap3A_417] {strides = array<i32>} : memref<128xf32, #tpu.memory_space<vmem>>, vector<16xf32>,
    %swap3A_419 = vector.shape_cast %swap3A_418 : vector<16xf32> to vector<16xf32>
    %swap3A_420 = vector.shape_cast %broadcast_in_dim3A_416 : vector<16xf32> to vector<16xf32>
    tpu.vector_store %arg9[%swap3A_417], %swap3A_420 {strides = array<i32>} : memref<128xf32, #tpu.memory_space<vmem>>, vector<16xf32>,
    %broadcast_in_dim3A_421 = arith.constant 1.000000e+00 : f32
    %broadcast_in_dim3A_422 = vector.broadcast %broadcast_in_dim3A_421 : f32 to vector<16xf32>
    %swap3A_423 = arith.constant 96 : index
    %swap3A_424 = tpu.vector_load %arg9[%swap3A_423] {strides = array<i32>} : memref<128xf32, #tpu.memory_space<vmem>>, vector<16xf32>,
    %swap3A_425 = vector.shape_cast %swap3A_424 : vector<16xf32> to vector<16xf32>
    %swap3A_426 = vector.shape_cast %broadcast_in_dim3A_422 : vector<16xf32> to vector<16xf32>
    tpu.vector_store %arg9[%swap3A_423], %swap3A_426 {strides = array<i32>} : memref<128xf32, #tpu.memory_space<vmem>>, vector<16xf32>,
    %broadcast_in_dim3A_427 = arith.constant 1.000000e+00 : f32
    %broadcast_in_dim3A_428 = vector.broadcast %broadcast_in_dim3A_427 : f32 to vector<16xf32>
    %swap3A_429 = arith.constant 112 : index
    %swap3A_430 = tpu.vector_load %arg9[%swap3A_429] {strides = array<i32>} : memref<128xf32, #tpu.memory_space<vmem>>, vector<16xf32>,
    %swap3A_431 = vector.shape_cast %swap3A_430 : vector<16xf32> to vector<16xf32>
    %swap3A_432 = vector.shape_cast %broadcast_in_dim3A_428 : vector<16xf32> to vector<16xf32>
    tpu.vector_store %arg9[%swap3A_429], %swap3A_432 {strides = array<i32>} : memref<128xf32, #tpu.memory_space<vmem>>, vector<16xf32>,
    "tpu.region"() ({
      %run_scoped3A = tpu.sem_alloc : memref<!tpu.dma_semaphore, #tpu.memory_space<semaphore_mem>>
      %dma_start3A_520 = tpu.memref_slice %arg2[%mul3A_2] : memref<4096xi32, #tpu.memory_space<hbm>> -> memref<128xi32, #tpu.memory_space<hbm>>
      %dma_start3A_521 = tpu.memref_slice %arg2[%mul3A_2] : memref<4096xi32, #tpu.memory_space<hbm>> -> memref<128xi32, #tpu.memory_space<hbm>>
      tpu.enqueue_dma source(%dma_start3A_521 : memref<128xi32, #tpu.memory_space<hbm>>) target(%arg6 : memref<128xi32, #tpu.memory_space<vmem>>) target_semaphore(%run_scoped3A : memref<!tpu.dma_semaphore, #tpu.memory_space<semaphore_mem>>)
      %dma_wait3A_522 = tpu.memref_slice %arg2[%mul3A_2] : memref<4096xi32, #tpu.memory_space<hbm>> -> memref<128xi32, #tpu.memory_space<hbm>>
      %dma_wait3A_523 = tpu.memref_slice %arg2[%mul3A_2] : memref<4096xi32, #tpu.memory_space<hbm>> -> memref<128xi32, #tpu.memory_space<hbm>>
      tpu.wait_dma2 semaphore(%run_scoped3A : memref<!tpu.dma_semaphore, #tpu.memory_space<semaphore_mem>>) src(%dma_wait3A_523 : memref<128xi32, #tpu.memory_space<hbm>>) dst(%arg6 : memref<128xi32, #tpu.memory_space<vmem>>)
      tpu.yield
    }) : () -> ()
    %get3A = arith.constant 0 : index
    %get3A_433 = tpu.vector_load %arg6[%get3A] {strides = array<i32>} : memref<128xi32, #tpu.memory_space<vmem>>, vector<16xi32>,
    %get3A_434 = vector.shape_cast %get3A_433 : vector<16xi32> to vector<16xi32>
    %shift_right_logical3A = arith.constant 2 : i32
    %shift_right_logical3A_435 = vector.broadcast %shift_right_logical3A : i32 to vector<16xi32>
    %shift_right_logical3A_436 = arith.shrui %get3A_434, %shift_right_logical3A_435 : vector<16xi32>
    %swap3A_437 = arith.constant 0 : index
    %swap3A_438 = tpu.vector_load %arg7[%swap3A_437] {strides = array<i32>} : memref<128xi32, #tpu.memory_space<vmem>>, vector<16xi32>,
    %swap3A_439 = vector.shape_cast %swap3A_438 : vector<16xi32> to vector<16xi32>
    %swap3A_440 = vector.shape_cast %shift_right_logical3A_436 : vector<16xi32> to vector<16xi32>
    tpu.vector_store %arg7[%swap3A_437], %swap3A_440 {strides = array<i32>} : memref<128xi32, #tpu.memory_space<vmem>>, vector<16xi32>,
    %get3A_441 = arith.constant 16 : index
    %get3A_442 = tpu.vector_load %arg6[%get3A_441] {strides = array<i32>} : memref<128xi32, #tpu.memory_space<vmem>>, vector<16xi32>,
    %get3A_443 = vector.shape_cast %get3A_442 : vector<16xi32> to vector<16xi32>
    %shift_right_logical3A_444 = arith.constant 2 : i32
    %shift_right_logical3A_445 = vector.broadcast %shift_right_logical3A_444 : i32 to vector<16xi32>
    %shift_right_logical3A_446 = arith.shrui %get3A_443, %shift_right_logical3A_445 : vector<16xi32>
    %swap3A_447 = arith.constant 16 : index
    %swap3A_448 = tpu.vector_load %arg7[%swap3A_447] {strides = array<i32>} : memref<128xi32, #tpu.memory_space<vmem>>, vector<16xi32>,
    %swap3A_449 = vector.shape_cast %swap3A_448 : vector<16xi32> to vector<16xi32>
    %swap3A_450 = vector.shape_cast %shift_right_logical3A_446 : vector<16xi32> to vector<16xi32>
    tpu.vector_store %arg7[%swap3A_447], %swap3A_450 {strides = array<i32>} : memref<128xi32, #tpu.memory_space<vmem>>, vector<16xi32>,
    %get3A_451 = arith.constant 32 : index
    %get3A_452 = tpu.vector_load %arg6[%get3A_451] {strides = array<i32>} : memref<128xi32, #tpu.memory_space<vmem>>, vector<16xi32>,
    %get3A_453 = vector.shape_cast %get3A_452 : vector<16xi32> to vector<16xi32>
    %shift_right_logical3A_454 = arith.constant 2 : i32
    %shift_right_logical3A_455 = vector.broadcast %shift_right_logical3A_454 : i32 to vector<16xi32>
    %shift_right_logical3A_456 = arith.shrui %get3A_453, %shift_right_logical3A_455 : vector<16xi32>
    %swap3A_457 = arith.constant 32 : index
    %swap3A_458 = tpu.vector_load %arg7[%swap3A_457] {strides = array<i32>} : memref<128xi32, #tpu.memory_space<vmem>>, vector<16xi32>,
    %swap3A_459 = vector.shape_cast %swap3A_458 : vector<16xi32> to vector<16xi32>
    %swap3A_460 = vector.shape_cast %shift_right_logical3A_456 : vector<16xi32> to vector<16xi32>
    tpu.vector_store %arg7[%swap3A_457], %swap3A_460 {strides = array<i32>} : memref<128xi32, #tpu.memory_space<vmem>>, vector<16xi32>,
    %get3A_461 = arith.constant 48 : index
    %get3A_462 = tpu.vector_load %arg6[%get3A_461] {strides = array<i32>} : memref<128xi32, #tpu.memory_space<vmem>>, vector<16xi32>,
    %get3A_463 = vector.shape_cast %get3A_462 : vector<16xi32> to vector<16xi32>
    %shift_right_logical3A_464 = arith.constant 2 : i32
    %shift_right_logical3A_465 = vector.broadcast %shift_right_logical3A_464 : i32 to vector<16xi32>
    %shift_right_logical3A_466 = arith.shrui %get3A_463, %shift_right_logical3A_465 : vector<16xi32>
    %swap3A_467 = arith.constant 48 : index
    %swap3A_468 = tpu.vector_load %arg7[%swap3A_467] {strides = array<i32>} : memref<128xi32, #tpu.memory_space<vmem>>, vector<16xi32>,
    %swap3A_469 = vector.shape_cast %swap3A_468 : vector<16xi32> to vector<16xi32>
    %swap3A_470 = vector.shape_cast %shift_right_logical3A_466 : vector<16xi32> to vector<16xi32>
    tpu.vector_store %arg7[%swap3A_467], %swap3A_470 {strides = array<i32>} : memref<128xi32, #tpu.memory_space<vmem>>, vector<16xi32>,
    %get3A_471 = arith.constant 64 : index
    %get3A_472 = tpu.vector_load %arg6[%get3A_471] {strides = array<i32>} : memref<128xi32, #tpu.memory_space<vmem>>, vector<16xi32>,
    %get3A_473 = vector.shape_cast %get3A_472 : vector<16xi32> to vector<16xi32>
    %shift_right_logical3A_474 = arith.constant 2 : i32
    %shift_right_logical3A_475 = vector.broadcast %shift_right_logical3A_474 : i32 to vector<16xi32>
    %shift_right_logical3A_476 = arith.shrui %get3A_473, %shift_right_logical3A_475 : vector<16xi32>
    %swap3A_477 = arith.constant 64 : index
    %swap3A_478 = tpu.vector_load %arg7[%swap3A_477] {strides = array<i32>} : memref<128xi32, #tpu.memory_space<vmem>>, vector<16xi32>,
    %swap3A_479 = vector.shape_cast %swap3A_478 : vector<16xi32> to vector<16xi32>
    %swap3A_480 = vector.shape_cast %shift_right_logical3A_476 : vector<16xi32> to vector<16xi32>
    tpu.vector_store %arg7[%swap3A_477], %swap3A_480 {strides = array<i32>} : memref<128xi32, #tpu.memory_space<vmem>>, vector<16xi32>,
    %get3A_481 = arith.constant 80 : index
    %get3A_482 = tpu.vector_load %arg6[%get3A_481] {strides = array<i32>} : memref<128xi32, #tpu.memory_space<vmem>>, vector<16xi32>,
    %get3A_483 = vector.shape_cast %get3A_482 : vector<16xi32> to vector<16xi32>
    %shift_right_logical3A_484 = arith.constant 2 : i32
    %shift_right_logical3A_485 = vector.broadcast %shift_right_logical3A_484 : i32 to vector<16xi32>
    %shift_right_logical3A_486 = arith.shrui %get3A_483, %shift_right_logical3A_485 : vector<16xi32>
    %swap3A_487 = arith.constant 80 : index
    %swap3A_488 = tpu.vector_load %arg7[%swap3A_487] {strides = array<i32>} : memref<128xi32, #tpu.memory_space<vmem>>, vector<16xi32>,
    %swap3A_489 = vector.shape_cast %swap3A_488 : vector<16xi32> to vector<16xi32>
    %swap3A_490 = vector.shape_cast %shift_right_logical3A_486 : vector<16xi32> to vector<16xi32>
    tpu.vector_store %arg7[%swap3A_487], %swap3A_490 {strides = array<i32>} : memref<128xi32, #tpu.memory_space<vmem>>, vector<16xi32>,
    %get3A_491 = arith.constant 96 : index
    %get3A_492 = tpu.vector_load %arg6[%get3A_491] {strides = array<i32>} : memref<128xi32, #tpu.memory_space<vmem>>, vector<16xi32>,
    %get3A_493 = vector.shape_cast %get3A_492 : vector<16xi32> to vector<16xi32>
    %shift_right_logical3A_494 = arith.constant 2 : i32
    %shift_right_logical3A_495 = vector.broadcast %shift_right_logical3A_494 : i32 to vector<16xi32>
    %shift_right_logical3A_496 = arith.shrui %get3A_493, %shift_right_logical3A_495 : vector<16xi32>
    %swap3A_497 = arith.constant 96 : index
    %swap3A_498 = tpu.vector_load %arg7[%swap3A_497] {strides = array<i32>} : memref<128xi32, #tpu.memory_space<vmem>>, vector<16xi32>,
    %swap3A_499 = vector.shape_cast %swap3A_498 : vector<16xi32> to vector<16xi32>
    %swap3A_500 = vector.shape_cast %shift_right_logical3A_496 : vector<16xi32> to vector<16xi32>
    tpu.vector_store %arg7[%swap3A_497], %swap3A_500 {strides = array<i32>} : memref<128xi32, #tpu.memory_space<vmem>>, vector<16xi32>,
    %get3A_501 = arith.constant 112 : index
    %get3A_502 = tpu.vector_load %arg6[%get3A_501] {strides = array<i32>} : memref<128xi32, #tpu.memory_space<vmem>>, vector<16xi32>,
    %get3A_503 = vector.shape_cast %get3A_502 : vector<16xi32> to vector<16xi32>
    %shift_right_logical3A_504 = arith.constant 2 : i32
    %shift_right_logical3A_505 = vector.broadcast %shift_right_logical3A_504 : i32 to vector<16xi32>
    %shift_right_logical3A_506 = arith.shrui %get3A_503, %shift_right_logical3A_505 : vector<16xi32>
    %swap3A_507 = arith.constant 112 : index
    %swap3A_508 = tpu.vector_load %arg7[%swap3A_507] {strides = array<i32>} : memref<128xi32, #tpu.memory_space<vmem>>, vector<16xi32>,
    %swap3A_509 = vector.shape_cast %swap3A_508 : vector<16xi32> to vector<16xi32>
    %swap3A_510 = vector.shape_cast %shift_right_logical3A_506 : vector<16xi32> to vector<16xi32>
    tpu.vector_store %arg7[%swap3A_507], %swap3A_510 {strides = array<i32>} : memref<128xi32, #tpu.memory_space<vmem>>, vector<16xi32>,
    %dma_start3A = arith.constant 0 : i32
    %dma_start3A_511 = arith.constant 0 : i32
    %dma_start3A_512 = tpu.memref_slice %arg3[%dma_start3A, %dma_start3A_511] : memref<4096x128xf32, #tpu.memory_space<hbm>> -> memref<4096x128xf32, #tpu.memory_space<hbm>>
    tpu.enqueue_indirect_dma source(%dma_start3A_512 : memref<4096x128xf32, #tpu.memory_space<hbm>>) target(%arg8 : memref<128x128xf32, #tpu.memory_space<vmem>>) offsets(%arg7 : memref<128xi32, #tpu.memory_space<vmem>>) semaphore(%arg12 : memref<!tpu.dma_semaphore, #tpu.memory_space<semaphore_mem>>)
    %dma_wait3A = arith.constant 0 : i32
    %dma_wait3A_513 = arith.constant 0 : i32
    %dma_wait3A_514 = tpu.memref_slice %arg3[%dma_wait3A, %dma_wait3A_513] : memref<4096x128xf32, #tpu.memory_space<hbm>> -> memref<4096x128xf32, #tpu.memory_space<hbm>>
    tpu.wait_indirect_dma semaphore(%arg12 : memref<!tpu.dma_semaphore, #tpu.memory_space<semaphore_mem>>) src(%dma_wait3A_514 : memref<4096x128xf32, #tpu.memory_space<hbm>>) dst(%arg8 : memref<128x128xf32, #tpu.memory_space<vmem>>)
    "tpu.region"() ({
      %run_scoped3A = tpu.sem_alloc : memref<!tpu.dma_semaphore, #tpu.memory_space<semaphore_mem>>
      %dma_start3A_520 = arith.constant 0 : i32
      %dma_start3A_521 = tpu.memref_slice %arg4[%mul3A_2, %dma_start3A_520] : memref<4096x128xf32, #tpu.memory_space<hbm>> -> memref<128x128xf32, #tpu.memory_space<hbm>>
      %dma_start3A_522 = arith.constant 0 : i32
      %dma_start3A_523 = tpu.memref_slice %arg4[%mul3A_2, %dma_start3A_522] : memref<4096x128xf32, #tpu.memory_space<hbm>> -> memref<128x128xf32, #tpu.memory_space<hbm>>
      tpu.enqueue_dma source(%arg8 : memref<128x128xf32, #tpu.memory_space<vmem>>) target(%dma_start3A_523 : memref<128x128xf32, #tpu.memory_space<hbm>>) target_semaphore(%run_scoped3A : memref<!tpu.dma_semaphore, #tpu.memory_space<semaphore_mem>>)
      %dma_wait3A_524 = arith.constant 0 : i32
      %dma_wait3A_525 = tpu.memref_slice %arg4[%mul3A_2, %dma_wait3A_524] : memref<4096x128xf32, #tpu.memory_space<hbm>> -> memref<128x128xf32, #tpu.memory_space<hbm>>
      %dma_wait3A_526 = arith.constant 0 : i32
      %dma_wait3A_527 = tpu.memref_slice %arg4[%mul3A_2, %dma_wait3A_526] : memref<4096x128xf32, #tpu.memory_space<hbm>> -> memref<128x128xf32, #tpu.memory_space<hbm>>
      tpu.wait_dma2 semaphore(%run_scoped3A : memref<!tpu.dma_semaphore, #tpu.memory_space<semaphore_mem>>) src(%arg8 : memref<128x128xf32, #tpu.memory_space<vmem>>) dst(%dma_wait3A_527 : memref<128x128xf32, #tpu.memory_space<hbm>>)
      tpu.yield
    }) : () -> ()
    %mul3A_515 = arith.constant 1024 : i32
    %mul3A_516 = arith.muli %arg1, %mul3A_515 : i32
    "tpu.region"() ({
      %run_scoped3A = tpu.sem_alloc : memref<!tpu.dma_semaphore, #tpu.memory_space<semaphore_mem>>
      %dma_start3A_520 = tpu.memref_slice %arg11[%mul3A_516] : memref<16384xf32, #tpu.memory_space<vmem_shared>> -> memref<1024xf32, #tpu.memory_space<vmem_shared>>
      %dma_start3A_521 = tpu.memref_slice %arg11[%mul3A_516] : memref<16384xf32, #tpu.memory_space<vmem_shared>> -> memref<1024xf32, #tpu.memory_space<vmem_shared>>
      tpu.enqueue_dma source(%arg10 : memref<1024xf32, #tpu.memory_space<vmem>>) target(%dma_start3A_521 : memref<1024xf32, #tpu.memory_space<vmem_shared>>) target_semaphore(%run_scoped3A : memref<!tpu.dma_semaphore, #tpu.memory_space<semaphore_mem>>)
      %dma_wait3A_522 = tpu.memref_slice %arg11[%mul3A_516] : memref<16384xf32, #tpu.memory_space<vmem_shared>> -> memref<1024xf32, #tpu.memory_space<vmem_shared>>
      %dma_wait3A_523 = tpu.memref_slice %arg11[%mul3A_516] : memref<16384xf32, #tpu.memory_space<vmem_shared>> -> memref<1024xf32, #tpu.memory_space<vmem_shared>>
      tpu.wait_dma2 semaphore(%run_scoped3A : memref<!tpu.dma_semaphore, #tpu.memory_space<semaphore_mem>>) src(%arg10 : memref<1024xf32, #tpu.memory_space<vmem>>) dst(%dma_wait3A_523 : memref<1024xf32, #tpu.memory_space<vmem_shared>>)
      tpu.yield
    }) : () -> ()
    %barrier3A = arith.constant 0 : index
    tpu.barrier barrier_id(%barrier3A)
    "tpu.region"() ({
      %run_scoped3A = tpu.sem_alloc : memref<!tpu.dma_semaphore, #tpu.memory_space<semaphore_mem>>
      %dma_start3A_520 = arith.constant 0 : i32
      %dma_start3A_521 = tpu.memref_slice %arg11[%dma_start3A_520] : memref<16384xf32, #tpu.memory_space<vmem_shared>> -> memref<16384xf32, #tpu.memory_space<vmem_shared>>
      tpu.enqueue_indirect_dma source(%arg9 : memref<128xf32, #tpu.memory_space<vmem>>) target(%dma_start3A_521 : memref<16384xf32, #tpu.memory_space<vmem_shared>>) offsets(%arg6 : memref<128xi32, #tpu.memory_space<vmem>>) semaphore(%run_scoped3A : memref<!tpu.dma_semaphore, #tpu.memory_space<semaphore_mem>>) {add = true}
      %dma_wait3A_522 = arith.constant 0 : i32
      %dma_wait3A_523 = tpu.memref_slice %arg11[%dma_wait3A_522] : memref<16384xf32, #tpu.memory_space<vmem_shared>> -> memref<16384xf32, #tpu.memory_space<vmem_shared>>
      tpu.wait_indirect_dma semaphore(%run_scoped3A : memref<!tpu.dma_semaphore, #tpu.memory_space<semaphore_mem>>) src(%arg9 : memref<128xf32, #tpu.memory_space<vmem>>) dst(%dma_wait3A_523 : memref<16384xf32, #tpu.memory_space<vmem_shared>>)
      tpu.yield
    }) : () -> ()
    %barrier3A_517 = arith.constant 0 : index
    tpu.barrier barrier_id(%barrier3A_517)
    %eq3A = arith.constant 0 : i32
    %eq3A_518 = arith.cmpi eq, %arg1, %eq3A : i32
    %convert_element_type3A = arith.extui %eq3A_518 : i1 to i32
    %cond3A = arith.constant 0 : i32
    %cond3A_519 = arith.cmpi ne, %convert_element_type3A, %cond3A : i32
    scf.if %cond3A_519 {
      "tpu.region"() ({
        %run_scoped3A = tpu.sem_alloc : memref<!tpu.dma_semaphore, #tpu.memory_space<semaphore_mem>>
        %dma_start3A_520 = arith.constant 0 : i32
        %dma_start3A_521 = tpu.memref_slice %arg5[%arg0, %dma_start3A_520] : memref<2x16384xf32, #tpu.memory_space<hbm>> -> memref<1x16384xf32, #tpu.memory_space<hbm>>
        %dma_start3A_522 = tpu.memref_squeeze %dma_start3A_521 : memref<1x16384xf32, #tpu.memory_space<hbm>> -> memref<16384xf32, #tpu.memory_space<hbm>>
        tpu.enqueue_dma source(%arg11 : memref<16384xf32, #tpu.memory_space<vmem_shared>>) target(%dma_start3A_522 : memref<16384xf32, #tpu.memory_space<hbm>>) target_semaphore(%run_scoped3A : memref<!tpu.dma_semaphore, #tpu.memory_space<semaphore_mem>>)
        %dma_wait3A_523 = arith.constant 0 : i32
        %dma_wait3A_524 = tpu.memref_slice %arg5[%arg0, %dma_wait3A_523] : memref<2x16384xf32, #tpu.memory_space<hbm>> -> memref<1x16384xf32, #tpu.memory_space<hbm>>
        %dma_wait3A_525 = tpu.memref_squeeze %dma_wait3A_524 : memref<1x16384xf32, #tpu.memory_space<hbm>> -> memref<16384xf32, #tpu.memory_space<hbm>>
        tpu.wait_dma2 semaphore(%run_scoped3A : memref<!tpu.dma_semaphore, #tpu.memory_space<semaphore_mem>>) src(%arg11 : memref<16384xf32, #tpu.memory_space<vmem_shared>>) dst(%dma_wait3A_525 : memref<16384xf32, #tpu.memory_space<hbm>>)
        tpu.yield
      }) : () -> ()
    } else {
    }
    return
  }
}

module attributes {stable_mosaic.version = 14 : i64} {
  func.func @_argmax_body(%arg0: i32, %arg1: i32, %arg2: memref<1x512x1024xf32, #tpu.memory_space<vmem>>, %arg3: memref<16384x32xbf16, #tpu.memory_space<vmem>>, %arg4: memref<32x512xf32, #tpu.memory_space<vmem>>, %arg5: memref<32x1xf32, #tpu.memory_space<vmem>>, %arg6: memref<1x32x1024xf32, #tpu.memory_space<vmem>>, %arg7: memref<1x1x1024xi32, #tpu.memory_space<vmem>>, %arg8: memref<32x1024xbf16, #tpu.memory_space<vmem>>, %arg9: memref<1x1024xf32, #tpu.memory_space<vmem>>, %arg10: memref<1x1024xi32, #tpu.memory_space<vmem>>) attributes {dimension_semantics = [#tpu.dimension_semantics<arbitrary>, #tpu.dimension_semantics<arbitrary>], iteration_bounds = array<i64: 4, 4>, scalar_prefetch = 0 : i64, scratch_operands = 3 : i64, tpu.core_type = #tpu.core_type<tc>, window_params = [{transform_indices = @transform_0, window_bounds = array<i64: 1, 512, 1024>}, {pipeline_mode = #tpu.pipeline_mode<synchronous>, transform_indices = @transform_1, window_bounds = array<i64: 16384, 32>}, {pipeline_mode = #tpu.pipeline_mode<synchronous>, transform_indices = @transform_2, window_bounds = array<i64: 32, 512>}, {pipeline_mode = #tpu.pipeline_mode<synchronous>, transform_indices = @transform_3, window_bounds = array<i64: 32, 1>}, {transform_indices = @transform_4, window_bounds = array<i64: 1, 32, 1024>}, {transform_indices = @transform_5, window_bounds = array<i64: 1, 1, 1024>}]} {
    %eq3A = arith.constant 0 : i32
    %eq3A_0 = arith.cmpi eq, %arg1, %eq3A : i32
    %convert_element_type3A = arith.extui %eq3A_0 : i1 to i32
    %cond3A = arith.constant 0 : i32
    %cond3A_1 = arith.cmpi ne, %convert_element_type3A, %cond3A : i32
    scf.if %cond3A_1 {
      %get3A_296 = arith.constant 0 : index
      %get3A_297 = arith.constant 0 : index
      %get3A_298 = vector.load %arg4[%get3A_296, %get3A_297] : memref<32x512xf32, #tpu.memory_space<vmem>>, vector<32x512xf32>
      %get3A_299 = arith.constant 0 : index
      %get3A_300 = arith.constant 0 : index
      %get3A_301 = arith.constant 0 : index
      %get3A_302 = vector.load %arg2[%get3A_299, %get3A_300, %get3A_301] : memref<1x512x1024xf32, #tpu.memory_space<vmem>>, vector<1x512x1024xf32>
      %get3A_303 = vector.shape_cast %get3A_302 : vector<1x512x1024xf32> to vector<512x1024xf32>
      %convert_element_type3A_304 = arith.truncf %get3A_298 : vector<32x512xf32> to vector<32x512xbf16>
      %convert_element_type3A_305 = arith.truncf %get3A_303 : vector<512x1024xf32> to vector<512x1024xbf16>
      %dot_general3A_306 = arith.constant dense<0.000000e+00> : vector<32x1024xf32>
      %dot_general3A_307 = tpu.matmul %convert_element_type3A_304, %convert_element_type3A_305, %dot_general3A_306 {dimension_numbers = #tpu.dot_dimension_numbers<[1], [0], [0], [1], [0, 0, 1, 1], [], []>, transpose_lhs_hint = false} : vector<32x512xbf16>, vector<512x1024xbf16>, vector<32x1024xf32> -> vector<32x1024xf32>
      %get3A_308 = arith.constant 0 : index
      %get3A_309 = arith.constant 0 : index
      %get3A_310 = vector.load %arg5[%get3A_308, %get3A_309] : memref<32x1xf32, #tpu.memory_space<vmem>>, vector<32x1xf32>
      %add3A_311 = vector.broadcast %get3A_310 : vector<32x1xf32> to vector<32x1024xf32>
      %add3A_312 = arith.addf %dot_general3A_307, %add3A_311 : vector<32x1024xf32>
      %mul3A_313 = arith.mulf %add3A_312, %add3A_312 : vector<32x1024xf32>
      %reduce_sum3A = arith.constant dense<0.000000e+00> : vector<1024xf32>
      %reduce_sum3A_314 = vector.multi_reduction <add>, %mul3A_313, %reduce_sum3A [0] : vector<32x1024xf32> to vector<1024xf32>
      %broadcast_in_dim3A_315 = vector.shape_cast %reduce_sum3A_314 : vector<1024xf32> to vector<1x1024xf32>
      %sqrt3A = math.sqrt %broadcast_in_dim3A_315 : vector<1x1024xf32>
      %max3A = arith.constant 9.99999997E-7 : f32
      %max3A_316 = vector.broadcast %max3A : f32 to vector<1x1024xf32>
      %max3A_317 = arith.maximumf %sqrt3A, %max3A_316 : vector<1x1024xf32>
      %div3A = vector.broadcast %max3A_317 : vector<1x1024xf32> to vector<32x1024xf32>
      %div3A_318 = arith.divf %add3A_312, %div3A : vector<32x1024xf32>
      %swap3A_319 = arith.constant 0 : index
      %swap3A_320 = arith.constant 0 : index
      %swap3A_321 = arith.constant 0 : index
      %swap3A_322 = vector.load %arg6[%swap3A_319, %swap3A_320, %swap3A_321] : memref<1x32x1024xf32, #tpu.memory_space<vmem>>, vector<1x32x1024xf32>
      %swap3A_323 = vector.shape_cast %swap3A_322 : vector<1x32x1024xf32> to vector<32x1024xf32>
      %swap3A_324 = vector.shape_cast %div3A_318 : vector<32x1024xf32> to vector<1x32x1024xf32>
      tpu.vector_store %arg6[%swap3A_319, %swap3A_320, %swap3A_321], %swap3A_324 {strides = array<i32>} : memref<1x32x1024xf32, #tpu.memory_space<vmem>>, vector<1x32x1024xf32>,
      %convert_element_type3A_325 = arith.truncf %div3A_318 : vector<32x1024xf32> to vector<32x1024xbf16>
      %swap3A_326 = arith.constant 0 : index
      %swap3A_327 = arith.constant 0 : index
      %swap3A_328 = vector.load %arg8[%swap3A_326, %swap3A_327] : memref<32x1024xbf16, #tpu.memory_space<vmem>>, vector<32x1024xbf16>
      tpu.vector_store %arg8[%swap3A_326, %swap3A_327], %convert_element_type3A_325 {strides = array<i32>} : memref<32x1024xbf16, #tpu.memory_space<vmem>>, vector<32x1024xbf16>,
      %broadcast_in_dim3A_329 = arith.constant 0xFF800000 : f32
      %broadcast_in_dim3A_330 = vector.broadcast %broadcast_in_dim3A_329 : f32 to vector<1x1024xf32>
      %swap3A_331 = arith.constant 0 : index
      %swap3A_332 = arith.constant 0 : index
      %swap3A_333 = vector.load %arg9[%swap3A_331, %swap3A_332] : memref<1x1024xf32, #tpu.memory_space<vmem>>, vector<1x1024xf32>
      tpu.vector_store %arg9[%swap3A_331, %swap3A_332], %broadcast_in_dim3A_330 {strides = array<i32>} : memref<1x1024xf32, #tpu.memory_space<vmem>>, vector<1x1024xf32>,
      %broadcast_in_dim3A_334 = arith.constant 0 : i32
      %broadcast_in_dim3A_335 = vector.broadcast %broadcast_in_dim3A_334 : i32 to vector<1x1024xi32>
      %swap3A_336 = arith.constant 0 : index
      %swap3A_337 = arith.constant 0 : index
      %swap3A_338 = vector.load %arg10[%swap3A_336, %swap3A_337] : memref<1x1024xi32, #tpu.memory_space<vmem>>, vector<1x1024xi32>
      tpu.vector_store %arg10[%swap3A_336, %swap3A_337], %broadcast_in_dim3A_335 {strides = array<i32>} : memref<1x1024xi32, #tpu.memory_space<vmem>>, vector<1x1024xi32>,
    } else {
    }
    %mul3A = arith.constant 4096 : i32
    %mul3A_2 = arith.muli %arg1, %mul3A : i32
    %get3A = arith.index_cast %mul3A_2 : i32 to index
    %get3A_3 = arith.constant 0 : index
    %get3A_4 = vector.load %arg3[%get3A, %get3A_3] : memref<16384x32xbf16, #tpu.memory_space<vmem>>, vector<4096x32xbf16>
    %get3A_5 = arith.constant 0 : index
    %get3A_6 = arith.constant 0 : index
    %get3A_7 = vector.load %arg8[%get3A_5, %get3A_6] : memref<32x1024xbf16, #tpu.memory_space<vmem>>, vector<32x1024xbf16>
    %dot_general3A = arith.constant dense<0.000000e+00> : vector<4096x1024xf32>
    %dot_general3A_8 = tpu.matmul %get3A_4, %get3A_7, %dot_general3A {dimension_numbers = #tpu.dot_dimension_numbers<[1], [0], [0], [1], [0, 0, 1, 1], [], []>, transpose_lhs_hint = false} : vector<4096x32xbf16>, vector<32x1024xbf16>, vector<4096x1024xf32> -> vector<4096x1024xf32>
    %slice3A = vector.extract_strided_slice %dot_general3A_8 {offsets = [0, 0], sizes = [128, 1024], strides = [1, 1]} : vector<4096x1024xf32> to vector<128x1024xf32>
    %broadcast_in_dim3A = arith.constant 0 : i32
    %broadcast_in_dim3A_9 = vector.broadcast %broadcast_in_dim3A : i32 to vector<128x1024xi32>
    %slice3A_10 = vector.extract_strided_slice %dot_general3A_8 {offsets = [128, 0], sizes = [128, 1024], strides = [1, 1]} : vector<4096x1024xf32> to vector<128x1024xf32>
    %ge3A = arith.cmpf oge, %slice3A, %slice3A_10 : vector<128x1024xf32>
    %jit3A = arith.constant 1 : i32
    %broadcast_in_dim3A_11 = vector.broadcast %jit3A : i32 to vector<128x1024xi32>
    %select_n3A = arith.select %ge3A, %broadcast_in_dim3A_9, %broadcast_in_dim3A_11 : vector<128x1024xi1>, vector<128x1024xi32>
    %select_n3A_12 = arith.select %ge3A, %slice3A, %slice3A_10 : vector<128x1024xi1>, vector<128x1024xf32>
    %slice3A_13 = vector.extract_strided_slice %dot_general3A_8 {offsets = [256, 0], sizes = [128, 1024], strides = [1, 1]} : vector<4096x1024xf32> to vector<128x1024xf32>
    %ge3A_14 = arith.cmpf oge, %select_n3A_12, %slice3A_13 : vector<128x1024xf32>
    %jit3A_15 = arith.constant 2 : i32
    %broadcast_in_dim3A_16 = vector.broadcast %jit3A_15 : i32 to vector<128x1024xi32>
    %select_n3A_17 = arith.select %ge3A_14, %select_n3A, %broadcast_in_dim3A_16 : vector<128x1024xi1>, vector<128x1024xi32>
    %select_n3A_18 = arith.select %ge3A_14, %select_n3A_12, %slice3A_13 : vector<128x1024xi1>, vector<128x1024xf32>
    %slice3A_19 = vector.extract_strided_slice %dot_general3A_8 {offsets = [384, 0], sizes = [128, 1024], strides = [1, 1]} : vector<4096x1024xf32> to vector<128x1024xf32>
    %ge3A_20 = arith.cmpf oge, %select_n3A_18, %slice3A_19 : vector<128x1024xf32>
    %jit3A_21 = arith.constant 3 : i32
    %broadcast_in_dim3A_22 = vector.broadcast %jit3A_21 : i32 to vector<128x1024xi32>
    %select_n3A_23 = arith.select %ge3A_20, %select_n3A_17, %broadcast_in_dim3A_22 : vector<128x1024xi1>, vector<128x1024xi32>
    %select_n3A_24 = arith.select %ge3A_20, %select_n3A_18, %slice3A_19 : vector<128x1024xi1>, vector<128x1024xf32>
    %slice3A_25 = vector.extract_strided_slice %dot_general3A_8 {offsets = [512, 0], sizes = [128, 1024], strides = [1, 1]} : vector<4096x1024xf32> to vector<128x1024xf32>
    %ge3A_26 = arith.cmpf oge, %select_n3A_24, %slice3A_25 : vector<128x1024xf32>
    %jit3A_27 = arith.constant 4 : i32
    %broadcast_in_dim3A_28 = vector.broadcast %jit3A_27 : i32 to vector<128x1024xi32>
    %select_n3A_29 = arith.select %ge3A_26, %select_n3A_23, %broadcast_in_dim3A_28 : vector<128x1024xi1>, vector<128x1024xi32>
    %select_n3A_30 = arith.select %ge3A_26, %select_n3A_24, %slice3A_25 : vector<128x1024xi1>, vector<128x1024xf32>
    %slice3A_31 = vector.extract_strided_slice %dot_general3A_8 {offsets = [640, 0], sizes = [128, 1024], strides = [1, 1]} : vector<4096x1024xf32> to vector<128x1024xf32>
    %ge3A_32 = arith.cmpf oge, %select_n3A_30, %slice3A_31 : vector<128x1024xf32>
    %jit3A_33 = arith.constant 5 : i32
    %broadcast_in_dim3A_34 = vector.broadcast %jit3A_33 : i32 to vector<128x1024xi32>
    %select_n3A_35 = arith.select %ge3A_32, %select_n3A_29, %broadcast_in_dim3A_34 : vector<128x1024xi1>, vector<128x1024xi32>
    %select_n3A_36 = arith.select %ge3A_32, %select_n3A_30, %slice3A_31 : vector<128x1024xi1>, vector<128x1024xf32>
    %slice3A_37 = vector.extract_strided_slice %dot_general3A_8 {offsets = [768, 0], sizes = [128, 1024], strides = [1, 1]} : vector<4096x1024xf32> to vector<128x1024xf32>
    %ge3A_38 = arith.cmpf oge, %select_n3A_36, %slice3A_37 : vector<128x1024xf32>
    %jit3A_39 = arith.constant 6 : i32
    %broadcast_in_dim3A_40 = vector.broadcast %jit3A_39 : i32 to vector<128x1024xi32>
    %select_n3A_41 = arith.select %ge3A_38, %select_n3A_35, %broadcast_in_dim3A_40 : vector<128x1024xi1>, vector<128x1024xi32>
    %select_n3A_42 = arith.select %ge3A_38, %select_n3A_36, %slice3A_37 : vector<128x1024xi1>, vector<128x1024xf32>
    %slice3A_43 = vector.extract_strided_slice %dot_general3A_8 {offsets = [896, 0], sizes = [128, 1024], strides = [1, 1]} : vector<4096x1024xf32> to vector<128x1024xf32>
    %ge3A_44 = arith.cmpf oge, %select_n3A_42, %slice3A_43 : vector<128x1024xf32>
    %jit3A_45 = arith.constant 7 : i32
    %broadcast_in_dim3A_46 = vector.broadcast %jit3A_45 : i32 to vector<128x1024xi32>
    %select_n3A_47 = arith.select %ge3A_44, %select_n3A_41, %broadcast_in_dim3A_46 : vector<128x1024xi1>, vector<128x1024xi32>
    %select_n3A_48 = arith.select %ge3A_44, %select_n3A_42, %slice3A_43 : vector<128x1024xi1>, vector<128x1024xf32>
    %slice3A_49 = vector.extract_strided_slice %dot_general3A_8 {offsets = [1024, 0], sizes = [128, 1024], strides = [1, 1]} : vector<4096x1024xf32> to vector<128x1024xf32>
    %ge3A_50 = arith.cmpf oge, %select_n3A_48, %slice3A_49 : vector<128x1024xf32>
    %jit3A_51 = arith.constant 8 : i32
    %broadcast_in_dim3A_52 = vector.broadcast %jit3A_51 : i32 to vector<128x1024xi32>
    %select_n3A_53 = arith.select %ge3A_50, %select_n3A_47, %broadcast_in_dim3A_52 : vector<128x1024xi1>, vector<128x1024xi32>
    %select_n3A_54 = arith.select %ge3A_50, %select_n3A_48, %slice3A_49 : vector<128x1024xi1>, vector<128x1024xf32>
    %slice3A_55 = vector.extract_strided_slice %dot_general3A_8 {offsets = [1152, 0], sizes = [128, 1024], strides = [1, 1]} : vector<4096x1024xf32> to vector<128x1024xf32>
    %ge3A_56 = arith.cmpf oge, %select_n3A_54, %slice3A_55 : vector<128x1024xf32>
    %jit3A_57 = arith.constant 9 : i32
    %broadcast_in_dim3A_58 = vector.broadcast %jit3A_57 : i32 to vector<128x1024xi32>
    %select_n3A_59 = arith.select %ge3A_56, %select_n3A_53, %broadcast_in_dim3A_58 : vector<128x1024xi1>, vector<128x1024xi32>
    %select_n3A_60 = arith.select %ge3A_56, %select_n3A_54, %slice3A_55 : vector<128x1024xi1>, vector<128x1024xf32>
    %slice3A_61 = vector.extract_strided_slice %dot_general3A_8 {offsets = [1280, 0], sizes = [128, 1024], strides = [1, 1]} : vector<4096x1024xf32> to vector<128x1024xf32>
    %ge3A_62 = arith.cmpf oge, %select_n3A_60, %slice3A_61 : vector<128x1024xf32>
    %jit3A_63 = arith.constant 10 : i32
    %broadcast_in_dim3A_64 = vector.broadcast %jit3A_63 : i32 to vector<128x1024xi32>
    %select_n3A_65 = arith.select %ge3A_62, %select_n3A_59, %broadcast_in_dim3A_64 : vector<128x1024xi1>, vector<128x1024xi32>
    %select_n3A_66 = arith.select %ge3A_62, %select_n3A_60, %slice3A_61 : vector<128x1024xi1>, vector<128x1024xf32>
    %slice3A_67 = vector.extract_strided_slice %dot_general3A_8 {offsets = [1408, 0], sizes = [128, 1024], strides = [1, 1]} : vector<4096x1024xf32> to vector<128x1024xf32>
    %ge3A_68 = arith.cmpf oge, %select_n3A_66, %slice3A_67 : vector<128x1024xf32>
    %jit3A_69 = arith.constant 11 : i32
    %broadcast_in_dim3A_70 = vector.broadcast %jit3A_69 : i32 to vector<128x1024xi32>
    %select_n3A_71 = arith.select %ge3A_68, %select_n3A_65, %broadcast_in_dim3A_70 : vector<128x1024xi1>, vector<128x1024xi32>
    %select_n3A_72 = arith.select %ge3A_68, %select_n3A_66, %slice3A_67 : vector<128x1024xi1>, vector<128x1024xf32>
    %slice3A_73 = vector.extract_strided_slice %dot_general3A_8 {offsets = [1536, 0], sizes = [128, 1024], strides = [1, 1]} : vector<4096x1024xf32> to vector<128x1024xf32>
    %ge3A_74 = arith.cmpf oge, %select_n3A_72, %slice3A_73 : vector<128x1024xf32>
    %jit3A_75 = arith.constant 12 : i32
    %broadcast_in_dim3A_76 = vector.broadcast %jit3A_75 : i32 to vector<128x1024xi32>
    %select_n3A_77 = arith.select %ge3A_74, %select_n3A_71, %broadcast_in_dim3A_76 : vector<128x1024xi1>, vector<128x1024xi32>
    %select_n3A_78 = arith.select %ge3A_74, %select_n3A_72, %slice3A_73 : vector<128x1024xi1>, vector<128x1024xf32>
    %slice3A_79 = vector.extract_strided_slice %dot_general3A_8 {offsets = [1664, 0], sizes = [128, 1024], strides = [1, 1]} : vector<4096x1024xf32> to vector<128x1024xf32>
    %ge3A_80 = arith.cmpf oge, %select_n3A_78, %slice3A_79 : vector<128x1024xf32>
    %jit3A_81 = arith.constant 13 : i32
    %broadcast_in_dim3A_82 = vector.broadcast %jit3A_81 : i32 to vector<128x1024xi32>
    %select_n3A_83 = arith.select %ge3A_80, %select_n3A_77, %broadcast_in_dim3A_82 : vector<128x1024xi1>, vector<128x1024xi32>
    %select_n3A_84 = arith.select %ge3A_80, %select_n3A_78, %slice3A_79 : vector<128x1024xi1>, vector<128x1024xf32>
    %slice3A_85 = vector.extract_strided_slice %dot_general3A_8 {offsets = [1792, 0], sizes = [128, 1024], strides = [1, 1]} : vector<4096x1024xf32> to vector<128x1024xf32>
    %ge3A_86 = arith.cmpf oge, %select_n3A_84, %slice3A_85 : vector<128x1024xf32>
    %jit3A_87 = arith.constant 14 : i32
    %broadcast_in_dim3A_88 = vector.broadcast %jit3A_87 : i32 to vector<128x1024xi32>
    %select_n3A_89 = arith.select %ge3A_86, %select_n3A_83, %broadcast_in_dim3A_88 : vector<128x1024xi1>, vector<128x1024xi32>
    %select_n3A_90 = arith.select %ge3A_86, %select_n3A_84, %slice3A_85 : vector<128x1024xi1>, vector<128x1024xf32>
    %slice3A_91 = vector.extract_strided_slice %dot_general3A_8 {offsets = [1920, 0], sizes = [128, 1024], strides = [1, 1]} : vector<4096x1024xf32> to vector<128x1024xf32>
    %ge3A_92 = arith.cmpf oge, %select_n3A_90, %slice3A_91 : vector<128x1024xf32>
    %jit3A_93 = arith.constant 15 : i32
    %broadcast_in_dim3A_94 = vector.broadcast %jit3A_93 : i32 to vector<128x1024xi32>
    %select_n3A_95 = arith.select %ge3A_92, %select_n3A_89, %broadcast_in_dim3A_94 : vector<128x1024xi1>, vector<128x1024xi32>
    %select_n3A_96 = arith.select %ge3A_92, %select_n3A_90, %slice3A_91 : vector<128x1024xi1>, vector<128x1024xf32>
    %slice3A_97 = vector.extract_strided_slice %dot_general3A_8 {offsets = [2048, 0], sizes = [128, 1024], strides = [1, 1]} : vector<4096x1024xf32> to vector<128x1024xf32>
    %ge3A_98 = arith.cmpf oge, %select_n3A_96, %slice3A_97 : vector<128x1024xf32>
    %jit3A_99 = arith.constant 16 : i32
    %broadcast_in_dim3A_100 = vector.broadcast %jit3A_99 : i32 to vector<128x1024xi32>
    %select_n3A_101 = arith.select %ge3A_98, %select_n3A_95, %broadcast_in_dim3A_100 : vector<128x1024xi1>, vector<128x1024xi32>
    %select_n3A_102 = arith.select %ge3A_98, %select_n3A_96, %slice3A_97 : vector<128x1024xi1>, vector<128x1024xf32>
    %slice3A_103 = vector.extract_strided_slice %dot_general3A_8 {offsets = [2176, 0], sizes = [128, 1024], strides = [1, 1]} : vector<4096x1024xf32> to vector<128x1024xf32>
    %ge3A_104 = arith.cmpf oge, %select_n3A_102, %slice3A_103 : vector<128x1024xf32>
    %jit3A_105 = arith.constant 17 : i32
    %broadcast_in_dim3A_106 = vector.broadcast %jit3A_105 : i32 to vector<128x1024xi32>
    %select_n3A_107 = arith.select %ge3A_104, %select_n3A_101, %broadcast_in_dim3A_106 : vector<128x1024xi1>, vector<128x1024xi32>
    %select_n3A_108 = arith.select %ge3A_104, %select_n3A_102, %slice3A_103 : vector<128x1024xi1>, vector<128x1024xf32>
    %slice3A_109 = vector.extract_strided_slice %dot_general3A_8 {offsets = [2304, 0], sizes = [128, 1024], strides = [1, 1]} : vector<4096x1024xf32> to vector<128x1024xf32>
    %ge3A_110 = arith.cmpf oge, %select_n3A_108, %slice3A_109 : vector<128x1024xf32>
    %jit3A_111 = arith.constant 18 : i32
    %broadcast_in_dim3A_112 = vector.broadcast %jit3A_111 : i32 to vector<128x1024xi32>
    %select_n3A_113 = arith.select %ge3A_110, %select_n3A_107, %broadcast_in_dim3A_112 : vector<128x1024xi1>, vector<128x1024xi32>
    %select_n3A_114 = arith.select %ge3A_110, %select_n3A_108, %slice3A_109 : vector<128x1024xi1>, vector<128x1024xf32>
    %slice3A_115 = vector.extract_strided_slice %dot_general3A_8 {offsets = [2432, 0], sizes = [128, 1024], strides = [1, 1]} : vector<4096x1024xf32> to vector<128x1024xf32>
    %ge3A_116 = arith.cmpf oge, %select_n3A_114, %slice3A_115 : vector<128x1024xf32>
    %jit3A_117 = arith.constant 19 : i32
    %broadcast_in_dim3A_118 = vector.broadcast %jit3A_117 : i32 to vector<128x1024xi32>
    %select_n3A_119 = arith.select %ge3A_116, %select_n3A_113, %broadcast_in_dim3A_118 : vector<128x1024xi1>, vector<128x1024xi32>
    %select_n3A_120 = arith.select %ge3A_116, %select_n3A_114, %slice3A_115 : vector<128x1024xi1>, vector<128x1024xf32>
    %slice3A_121 = vector.extract_strided_slice %dot_general3A_8 {offsets = [2560, 0], sizes = [128, 1024], strides = [1, 1]} : vector<4096x1024xf32> to vector<128x1024xf32>
    %ge3A_122 = arith.cmpf oge, %select_n3A_120, %slice3A_121 : vector<128x1024xf32>
    %jit3A_123 = arith.constant 20 : i32
    %broadcast_in_dim3A_124 = vector.broadcast %jit3A_123 : i32 to vector<128x1024xi32>
    %select_n3A_125 = arith.select %ge3A_122, %select_n3A_119, %broadcast_in_dim3A_124 : vector<128x1024xi1>, vector<128x1024xi32>
    %select_n3A_126 = arith.select %ge3A_122, %select_n3A_120, %slice3A_121 : vector<128x1024xi1>, vector<128x1024xf32>
    %slice3A_127 = vector.extract_strided_slice %dot_general3A_8 {offsets = [2688, 0], sizes = [128, 1024], strides = [1, 1]} : vector<4096x1024xf32> to vector<128x1024xf32>
    %ge3A_128 = arith.cmpf oge, %select_n3A_126, %slice3A_127 : vector<128x1024xf32>
    %jit3A_129 = arith.constant 21 : i32
    %broadcast_in_dim3A_130 = vector.broadcast %jit3A_129 : i32 to vector<128x1024xi32>
    %select_n3A_131 = arith.select %ge3A_128, %select_n3A_125, %broadcast_in_dim3A_130 : vector<128x1024xi1>, vector<128x1024xi32>
    %select_n3A_132 = arith.select %ge3A_128, %select_n3A_126, %slice3A_127 : vector<128x1024xi1>, vector<128x1024xf32>
    %slice3A_133 = vector.extract_strided_slice %dot_general3A_8 {offsets = [2816, 0], sizes = [128, 1024], strides = [1, 1]} : vector<4096x1024xf32> to vector<128x1024xf32>
    %ge3A_134 = arith.cmpf oge, %select_n3A_132, %slice3A_133 : vector<128x1024xf32>
    %jit3A_135 = arith.constant 22 : i32
    %broadcast_in_dim3A_136 = vector.broadcast %jit3A_135 : i32 to vector<128x1024xi32>
    %select_n3A_137 = arith.select %ge3A_134, %select_n3A_131, %broadcast_in_dim3A_136 : vector<128x1024xi1>, vector<128x1024xi32>
    %select_n3A_138 = arith.select %ge3A_134, %select_n3A_132, %slice3A_133 : vector<128x1024xi1>, vector<128x1024xf32>
    %slice3A_139 = vector.extract_strided_slice %dot_general3A_8 {offsets = [2944, 0], sizes = [128, 1024], strides = [1, 1]} : vector<4096x1024xf32> to vector<128x1024xf32>
    %ge3A_140 = arith.cmpf oge, %select_n3A_138, %slice3A_139 : vector<128x1024xf32>
    %jit3A_141 = arith.constant 23 : i32
    %broadcast_in_dim3A_142 = vector.broadcast %jit3A_141 : i32 to vector<128x1024xi32>
    %select_n3A_143 = arith.select %ge3A_140, %select_n3A_137, %broadcast_in_dim3A_142 : vector<128x1024xi1>, vector<128x1024xi32>
    %select_n3A_144 = arith.select %ge3A_140, %select_n3A_138, %slice3A_139 : vector<128x1024xi1>, vector<128x1024xf32>
    %slice3A_145 = vector.extract_strided_slice %dot_general3A_8 {offsets = [3072, 0], sizes = [128, 1024], strides = [1, 1]} : vector<4096x1024xf32> to vector<128x1024xf32>
    %ge3A_146 = arith.cmpf oge, %select_n3A_144, %slice3A_145 : vector<128x1024xf32>
    %jit3A_147 = arith.constant 24 : i32
    %broadcast_in_dim3A_148 = vector.broadcast %jit3A_147 : i32 to vector<128x1024xi32>
    %select_n3A_149 = arith.select %ge3A_146, %select_n3A_143, %broadcast_in_dim3A_148 : vector<128x1024xi1>, vector<128x1024xi32>
    %select_n3A_150 = arith.select %ge3A_146, %select_n3A_144, %slice3A_145 : vector<128x1024xi1>, vector<128x1024xf32>
    %slice3A_151 = vector.extract_strided_slice %dot_general3A_8 {offsets = [3200, 0], sizes = [128, 1024], strides = [1, 1]} : vector<4096x1024xf32> to vector<128x1024xf32>
    %ge3A_152 = arith.cmpf oge, %select_n3A_150, %slice3A_151 : vector<128x1024xf32>
    %jit3A_153 = arith.constant 25 : i32
    %broadcast_in_dim3A_154 = vector.broadcast %jit3A_153 : i32 to vector<128x1024xi32>
    %select_n3A_155 = arith.select %ge3A_152, %select_n3A_149, %broadcast_in_dim3A_154 : vector<128x1024xi1>, vector<128x1024xi32>
    %select_n3A_156 = arith.select %ge3A_152, %select_n3A_150, %slice3A_151 : vector<128x1024xi1>, vector<128x1024xf32>
    %slice3A_157 = vector.extract_strided_slice %dot_general3A_8 {offsets = [3328, 0], sizes = [128, 1024], strides = [1, 1]} : vector<4096x1024xf32> to vector<128x1024xf32>
    %ge3A_158 = arith.cmpf oge, %select_n3A_156, %slice3A_157 : vector<128x1024xf32>
    %jit3A_159 = arith.constant 26 : i32
    %broadcast_in_dim3A_160 = vector.broadcast %jit3A_159 : i32 to vector<128x1024xi32>
    %select_n3A_161 = arith.select %ge3A_158, %select_n3A_155, %broadcast_in_dim3A_160 : vector<128x1024xi1>, vector<128x1024xi32>
    %select_n3A_162 = arith.select %ge3A_158, %select_n3A_156, %slice3A_157 : vector<128x1024xi1>, vector<128x1024xf32>
    %slice3A_163 = vector.extract_strided_slice %dot_general3A_8 {offsets = [3456, 0], sizes = [128, 1024], strides = [1, 1]} : vector<4096x1024xf32> to vector<128x1024xf32>
    %ge3A_164 = arith.cmpf oge, %select_n3A_162, %slice3A_163 : vector<128x1024xf32>
    %jit3A_165 = arith.constant 27 : i32
    %broadcast_in_dim3A_166 = vector.broadcast %jit3A_165 : i32 to vector<128x1024xi32>
    %select_n3A_167 = arith.select %ge3A_164, %select_n3A_161, %broadcast_in_dim3A_166 : vector<128x1024xi1>, vector<128x1024xi32>
    %select_n3A_168 = arith.select %ge3A_164, %select_n3A_162, %slice3A_163 : vector<128x1024xi1>, vector<128x1024xf32>
    %slice3A_169 = vector.extract_strided_slice %dot_general3A_8 {offsets = [3584, 0], sizes = [128, 1024], strides = [1, 1]} : vector<4096x1024xf32> to vector<128x1024xf32>
    %ge3A_170 = arith.cmpf oge, %select_n3A_168, %slice3A_169 : vector<128x1024xf32>
    %jit3A_171 = arith.constant 28 : i32
    %broadcast_in_dim3A_172 = vector.broadcast %jit3A_171 : i32 to vector<128x1024xi32>
    %select_n3A_173 = arith.select %ge3A_170, %select_n3A_167, %broadcast_in_dim3A_172 : vector<128x1024xi1>, vector<128x1024xi32>
    %select_n3A_174 = arith.select %ge3A_170, %select_n3A_168, %slice3A_169 : vector<128x1024xi1>, vector<128x1024xf32>
    %slice3A_175 = vector.extract_strided_slice %dot_general3A_8 {offsets = [3712, 0], sizes = [128, 1024], strides = [1, 1]} : vector<4096x1024xf32> to vector<128x1024xf32>
    %ge3A_176 = arith.cmpf oge, %select_n3A_174, %slice3A_175 : vector<128x1024xf32>
    %jit3A_177 = arith.constant 29 : i32
    %broadcast_in_dim3A_178 = vector.broadcast %jit3A_177 : i32 to vector<128x1024xi32>
    %select_n3A_179 = arith.select %ge3A_176, %select_n3A_173, %broadcast_in_dim3A_178 : vector<128x1024xi1>, vector<128x1024xi32>
    %select_n3A_180 = arith.select %ge3A_176, %select_n3A_174, %slice3A_175 : vector<128x1024xi1>, vector<128x1024xf32>
    %slice3A_181 = vector.extract_strided_slice %dot_general3A_8 {offsets = [3840, 0], sizes = [128, 1024], strides = [1, 1]} : vector<4096x1024xf32> to vector<128x1024xf32>
    %ge3A_182 = arith.cmpf oge, %select_n3A_180, %slice3A_181 : vector<128x1024xf32>
    %jit3A_183 = arith.constant 30 : i32
    %broadcast_in_dim3A_184 = vector.broadcast %jit3A_183 : i32 to vector<128x1024xi32>
    %select_n3A_185 = arith.select %ge3A_182, %select_n3A_179, %broadcast_in_dim3A_184 : vector<128x1024xi1>, vector<128x1024xi32>
    %select_n3A_186 = arith.select %ge3A_182, %select_n3A_180, %slice3A_181 : vector<128x1024xi1>, vector<128x1024xf32>
    %slice3A_187 = vector.extract_strided_slice %dot_general3A_8 {offsets = [3968, 0], sizes = [128, 1024], strides = [1, 1]} : vector<4096x1024xf32> to vector<128x1024xf32>
    %ge3A_188 = arith.cmpf oge, %select_n3A_186, %slice3A_187 : vector<128x1024xf32>
    %jit3A_189 = arith.constant 31 : i32
    %broadcast_in_dim3A_190 = vector.broadcast %jit3A_189 : i32 to vector<128x1024xi32>
    %select_n3A_191 = arith.select %ge3A_188, %select_n3A_185, %broadcast_in_dim3A_190 : vector<128x1024xi1>, vector<128x1024xi32>
    %select_n3A_192 = arith.select %ge3A_188, %select_n3A_186, %slice3A_187 : vector<128x1024xi1>, vector<128x1024xf32>
    %iota3A = tpu.iota {dimensions = array<i32: 0>} : vector<128x1xi32>
    %mul3A_193 = arith.constant 32 : i32
    %mul3A_194 = vector.broadcast %mul3A_193 : i32 to vector<128x1xi32>
    %mul3A_195 = arith.muli %iota3A, %mul3A_194 : vector<128x1xi32>
    %add3A = vector.broadcast %mul3A_195 : vector<128x1xi32> to vector<128x1024xi32>
    %add3A_196 = arith.addi %add3A, %select_n3A_191 : vector<128x1024xi32>
    %slice3A_197 = vector.extract_strided_slice %select_n3A_192 {offsets = [0, 0], sizes = [64, 1024], strides = [1, 1]} : vector<128x1024xf32> to vector<64x1024xf32>
    %slice3A_198 = vector.extract_strided_slice %select_n3A_192 {offsets = [64, 0], sizes = [64, 1024], strides = [1, 1]} : vector<128x1024xf32> to vector<64x1024xf32>
    %slice3A_199 = vector.extract_strided_slice %add3A_196 {offsets = [0, 0], sizes = [64, 1024], strides = [1, 1]} : vector<128x1024xi32> to vector<64x1024xi32>
    %slice3A_200 = vector.extract_strided_slice %add3A_196 {offsets = [64, 0], sizes = [64, 1024], strides = [1, 1]} : vector<128x1024xi32> to vector<64x1024xi32>
    %gt3A = arith.cmpf ogt, %slice3A_197, %slice3A_198 : vector<64x1024xf32>
    %eq3A_201 = arith.cmpf oeq, %slice3A_197, %slice3A_198 : vector<64x1024xf32>
    %le3A = arith.cmpi sle, %slice3A_199, %slice3A_200 : vector<64x1024xi32>
    %and3A = arith.andi %eq3A_201, %le3A : vector<64x1024xi1>
    %or3A = arith.ori %gt3A, %and3A : vector<64x1024xi1>
    %select_n3A_202 = arith.select %or3A, %slice3A_197, %slice3A_198 : vector<64x1024xi1>, vector<64x1024xf32>
    %select_n3A_203 = arith.select %or3A, %slice3A_199, %slice3A_200 : vector<64x1024xi1>, vector<64x1024xi32>
    %slice3A_204 = vector.extract_strided_slice %select_n3A_202 {offsets = [0, 0], sizes = [32, 1024], strides = [1, 1]} : vector<64x1024xf32> to vector<32x1024xf32>
    %slice3A_205 = vector.extract_strided_slice %select_n3A_202 {offsets = [32, 0], sizes = [32, 1024], strides = [1, 1]} : vector<64x1024xf32> to vector<32x1024xf32>
    %slice3A_206 = vector.extract_strided_slice %select_n3A_203 {offsets = [0, 0], sizes = [32, 1024], strides = [1, 1]} : vector<64x1024xi32> to vector<32x1024xi32>
    %slice3A_207 = vector.extract_strided_slice %select_n3A_203 {offsets = [32, 0], sizes = [32, 1024], strides = [1, 1]} : vector<64x1024xi32> to vector<32x1024xi32>
    %gt3A_208 = arith.cmpf ogt, %slice3A_204, %slice3A_205 : vector<32x1024xf32>
    %eq3A_209 = arith.cmpf oeq, %slice3A_204, %slice3A_205 : vector<32x1024xf32>
    %le3A_210 = arith.cmpi sle, %slice3A_206, %slice3A_207 : vector<32x1024xi32>
    %and3A_211 = arith.andi %eq3A_209, %le3A_210 : vector<32x1024xi1>
    %or3A_212 = arith.ori %gt3A_208, %and3A_211 : vector<32x1024xi1>
    %select_n3A_213 = arith.select %or3A_212, %slice3A_204, %slice3A_205 : vector<32x1024xi1>, vector<32x1024xf32>
    %select_n3A_214 = arith.select %or3A_212, %slice3A_206, %slice3A_207 : vector<32x1024xi1>, vector<32x1024xi32>
    %slice3A_215 = vector.extract_strided_slice %select_n3A_213 {offsets = [0, 0], sizes = [16, 1024], strides = [1, 1]} : vector<32x1024xf32> to vector<16x1024xf32>
    %slice3A_216 = vector.extract_strided_slice %select_n3A_213 {offsets = [16, 0], sizes = [16, 1024], strides = [1, 1]} : vector<32x1024xf32> to vector<16x1024xf32>
    %slice3A_217 = vector.extract_strided_slice %select_n3A_214 {offsets = [0, 0], sizes = [16, 1024], strides = [1, 1]} : vector<32x1024xi32> to vector<16x1024xi32>
    %slice3A_218 = vector.extract_strided_slice %select_n3A_214 {offsets = [16, 0], sizes = [16, 1024], strides = [1, 1]} : vector<32x1024xi32> to vector<16x1024xi32>
    %gt3A_219 = arith.cmpf ogt, %slice3A_215, %slice3A_216 : vector<16x1024xf32>
    %eq3A_220 = arith.cmpf oeq, %slice3A_215, %slice3A_216 : vector<16x1024xf32>
    %le3A_221 = arith.cmpi sle, %slice3A_217, %slice3A_218 : vector<16x1024xi32>
    %and3A_222 = arith.andi %eq3A_220, %le3A_221 : vector<16x1024xi1>
    %or3A_223 = arith.ori %gt3A_219, %and3A_222 : vector<16x1024xi1>
    %select_n3A_224 = arith.select %or3A_223, %slice3A_215, %slice3A_216 : vector<16x1024xi1>, vector<16x1024xf32>
    %select_n3A_225 = arith.select %or3A_223, %slice3A_217, %slice3A_218 : vector<16x1024xi1>, vector<16x1024xi32>
    %slice3A_226 = vector.extract_strided_slice %select_n3A_224 {offsets = [0, 0], sizes = [8, 1024], strides = [1, 1]} : vector<16x1024xf32> to vector<8x1024xf32>
    %slice3A_227 = vector.extract_strided_slice %select_n3A_224 {offsets = [8, 0], sizes = [8, 1024], strides = [1, 1]} : vector<16x1024xf32> to vector<8x1024xf32>
    %slice3A_228 = vector.extract_strided_slice %select_n3A_225 {offsets = [0, 0], sizes = [8, 1024], strides = [1, 1]} : vector<16x1024xi32> to vector<8x1024xi32>
    %slice3A_229 = vector.extract_strided_slice %select_n3A_225 {offsets = [8, 0], sizes = [8, 1024], strides = [1, 1]} : vector<16x1024xi32> to vector<8x1024xi32>
    %gt3A_230 = arith.cmpf ogt, %slice3A_226, %slice3A_227 : vector<8x1024xf32>
    %eq3A_231 = arith.cmpf oeq, %slice3A_226, %slice3A_227 : vector<8x1024xf32>
    %le3A_232 = arith.cmpi sle, %slice3A_228, %slice3A_229 : vector<8x1024xi32>
    %and3A_233 = arith.andi %eq3A_231, %le3A_232 : vector<8x1024xi1>
    %or3A_234 = arith.ori %gt3A_230, %and3A_233 : vector<8x1024xi1>
    %select_n3A_235 = arith.select %or3A_234, %slice3A_226, %slice3A_227 : vector<8x1024xi1>, vector<8x1024xf32>
    %select_n3A_236 = arith.select %or3A_234, %slice3A_228, %slice3A_229 : vector<8x1024xi1>, vector<8x1024xi32>
    %slice3A_237 = vector.extract_strided_slice %select_n3A_235 {offsets = [0, 0], sizes = [4, 1024], strides = [1, 1]} : vector<8x1024xf32> to vector<4x1024xf32>
    %slice3A_238 = vector.extract_strided_slice %select_n3A_235 {offsets = [4, 0], sizes = [4, 1024], strides = [1, 1]} : vector<8x1024xf32> to vector<4x1024xf32>
    %slice3A_239 = vector.extract_strided_slice %select_n3A_236 {offsets = [0, 0], sizes = [4, 1024], strides = [1, 1]} : vector<8x1024xi32> to vector<4x1024xi32>
    %slice3A_240 = vector.extract_strided_slice %select_n3A_236 {offsets = [4, 0], sizes = [4, 1024], strides = [1, 1]} : vector<8x1024xi32> to vector<4x1024xi32>
    %gt3A_241 = arith.cmpf ogt, %slice3A_237, %slice3A_238 : vector<4x1024xf32>
    %eq3A_242 = arith.cmpf oeq, %slice3A_237, %slice3A_238 : vector<4x1024xf32>
    %le3A_243 = arith.cmpi sle, %slice3A_239, %slice3A_240 : vector<4x1024xi32>
    %and3A_244 = arith.andi %eq3A_242, %le3A_243 : vector<4x1024xi1>
    %or3A_245 = arith.ori %gt3A_241, %and3A_244 : vector<4x1024xi1>
    %select_n3A_246 = arith.select %or3A_245, %slice3A_237, %slice3A_238 : vector<4x1024xi1>, vector<4x1024xf32>
    %select_n3A_247 = arith.select %or3A_245, %slice3A_239, %slice3A_240 : vector<4x1024xi1>, vector<4x1024xi32>
    %slice3A_248 = vector.extract_strided_slice %select_n3A_246 {offsets = [0, 0], sizes = [2, 1024], strides = [1, 1]} : vector<4x1024xf32> to vector<2x1024xf32>
    %slice3A_249 = vector.extract_strided_slice %select_n3A_246 {offsets = [2, 0], sizes = [2, 1024], strides = [1, 1]} : vector<4x1024xf32> to vector<2x1024xf32>
    %slice3A_250 = vector.extract_strided_slice %select_n3A_247 {offsets = [0, 0], sizes = [2, 1024], strides = [1, 1]} : vector<4x1024xi32> to vector<2x1024xi32>
    %slice3A_251 = vector.extract_strided_slice %select_n3A_247 {offsets = [2, 0], sizes = [2, 1024], strides = [1, 1]} : vector<4x1024xi32> to vector<2x1024xi32>
    %gt3A_252 = arith.cmpf ogt, %slice3A_248, %slice3A_249 : vector<2x1024xf32>
    %eq3A_253 = arith.cmpf oeq, %slice3A_248, %slice3A_249 : vector<2x1024xf32>
    %le3A_254 = arith.cmpi sle, %slice3A_250, %slice3A_251 : vector<2x1024xi32>
    %and3A_255 = arith.andi %eq3A_253, %le3A_254 : vector<2x1024xi1>
    %or3A_256 = arith.ori %gt3A_252, %and3A_255 : vector<2x1024xi1>
    %select_n3A_257 = arith.select %or3A_256, %slice3A_248, %slice3A_249 : vector<2x1024xi1>, vector<2x1024xf32>
    %select_n3A_258 = arith.select %or3A_256, %slice3A_250, %slice3A_251 : vector<2x1024xi1>, vector<2x1024xi32>
    %slice3A_259 = vector.extract_strided_slice %select_n3A_257 {offsets = [0, 0], sizes = [1, 1024], strides = [1, 1]} : vector<2x1024xf32> to vector<1x1024xf32>
    %slice3A_260 = vector.extract_strided_slice %select_n3A_257 {offsets = [1, 0], sizes = [1, 1024], strides = [1, 1]} : vector<2x1024xf32> to vector<1x1024xf32>
    %slice3A_261 = vector.extract_strided_slice %select_n3A_258 {offsets = [0, 0], sizes = [1, 1024], strides = [1, 1]} : vector<2x1024xi32> to vector<1x1024xi32>
    %slice3A_262 = vector.extract_strided_slice %select_n3A_258 {offsets = [1, 0], sizes = [1, 1024], strides = [1, 1]} : vector<2x1024xi32> to vector<1x1024xi32>
    %gt3A_263 = arith.cmpf ogt, %slice3A_259, %slice3A_260 : vector<1x1024xf32>
    %eq3A_264 = arith.cmpf oeq, %slice3A_259, %slice3A_260 : vector<1x1024xf32>
    %le3A_265 = arith.cmpi sle, %slice3A_261, %slice3A_262 : vector<1x1024xi32>
    %and3A_266 = arith.andi %eq3A_264, %le3A_265 : vector<1x1024xi1>
    %or3A_267 = arith.ori %gt3A_263, %and3A_266 : vector<1x1024xi1>
    %select_n3A_268 = arith.select %or3A_267, %slice3A_259, %slice3A_260 : vector<1x1024xi1>, vector<1x1024xf32>
    %select_n3A_269 = arith.select %or3A_267, %slice3A_261, %slice3A_262 : vector<1x1024xi1>, vector<1x1024xi32>
    %mul3A_270 = arith.constant 4096 : i32
    %mul3A_271 = arith.muli %arg1, %mul3A_270 : i32
    %add3A_272 = vector.broadcast %mul3A_271 : i32 to vector<1x1024xi32>
    %add3A_273 = arith.addi %select_n3A_269, %add3A_272 : vector<1x1024xi32>
    %get3A_274 = arith.constant 0 : index
    %get3A_275 = arith.constant 0 : index
    %get3A_276 = vector.load %arg9[%get3A_274, %get3A_275] : memref<1x1024xf32, #tpu.memory_space<vmem>>, vector<1x1024xf32>
    %gt3A_277 = arith.cmpf ogt, %select_n3A_268, %get3A_276 : vector<1x1024xf32>
    %get3A_278 = arith.constant 0 : index
    %get3A_279 = arith.constant 0 : index
    %get3A_280 = vector.load %arg9[%get3A_278, %get3A_279] : memref<1x1024xf32, #tpu.memory_space<vmem>>, vector<1x1024xf32>
    %select_n3A_281 = arith.select %gt3A_277, %select_n3A_268, %get3A_280 : vector<1x1024xi1>, vector<1x1024xf32>
    %swap3A = arith.constant 0 : index
    %swap3A_282 = arith.constant 0 : index
    %swap3A_283 = vector.load %arg9[%swap3A, %swap3A_282] : memref<1x1024xf32, #tpu.memory_space<vmem>>, vector<1x1024xf32>
    tpu.vector_store %arg9[%swap3A, %swap3A_282], %select_n3A_281 {strides = array<i32>} : memref<1x1024xf32, #tpu.memory_space<vmem>>, vector<1x1024xf32>,
    %get3A_284 = arith.constant 0 : index
    %get3A_285 = arith.constant 0 : index
    %get3A_286 = vector.load %arg10[%get3A_284, %get3A_285] : memref<1x1024xi32, #tpu.memory_space<vmem>>, vector<1x1024xi32>
    %select_n3A_287 = arith.select %gt3A_277, %add3A_273, %get3A_286 : vector<1x1024xi1>, vector<1x1024xi32>
    %swap3A_288 = arith.constant 0 : index
    %swap3A_289 = arith.constant 0 : index
    %swap3A_290 = vector.load %arg10[%swap3A_288, %swap3A_289] : memref<1x1024xi32, #tpu.memory_space<vmem>>, vector<1x1024xi32>
    tpu.vector_store %arg10[%swap3A_288, %swap3A_289], %select_n3A_287 {strides = array<i32>} : memref<1x1024xi32, #tpu.memory_space<vmem>>, vector<1x1024xi32>,
    %eq3A_291 = arith.constant 3 : i32
    %eq3A_292 = arith.cmpi eq, %arg1, %eq3A_291 : i32
    %convert_element_type3A_293 = arith.extui %eq3A_292 : i1 to i32
    %cond3A_294 = arith.constant 0 : i32
    %cond3A_295 = arith.cmpi ne, %convert_element_type3A_293, %cond3A_294 : i32
    scf.if %cond3A_295 {
      %get3A_296 = arith.constant 0 : index
      %get3A_297 = arith.constant 0 : index
      %get3A_298 = vector.load %arg10[%get3A_296, %get3A_297] : memref<1x1024xi32, #tpu.memory_space<vmem>>, vector<1x1024xi32>
      %swap3A_299 = arith.constant 0 : index
      %swap3A_300 = arith.constant 0 : index
      %swap3A_301 = arith.constant 0 : index
      %swap3A_302 = vector.load %arg7[%swap3A_299, %swap3A_300, %swap3A_301] : memref<1x1x1024xi32, #tpu.memory_space<vmem>>, vector<1x1x1024xi32>
      %swap3A_303 = vector.shape_cast %swap3A_302 : vector<1x1x1024xi32> to vector<1x1024xi32>
      %swap3A_304 = vector.shape_cast %get3A_298 : vector<1x1024xi32> to vector<1x1x1024xi32>
      tpu.vector_store %arg7[%swap3A_299, %swap3A_300, %swap3A_301], %swap3A_304 {strides = array<i32>} : memref<1x1x1024xi32, #tpu.memory_space<vmem>>, vector<1x1x1024xi32>,
    } else {
    }
    return
  }
  func.func @transform_0(%arg0: i32, %arg1: i32) -> (i32, i32, i32) {
    %c0_i32 = arith.constant 0 : i32
    %c0_i32_0 = arith.constant 0 : i32
    %c0_i32_1 = arith.constant 0 : i32
    return %arg0, %c0_i32, %c0_i32_0 : i32, i32, i32
  }
  func.func @transform_1(%arg0: i32, %arg1: i32) -> (i32, i32) {
    %c0_i32 = arith.constant 0 : i32
    %c0_i32_0 = arith.constant 0 : i32
    %c0_i32_1 = arith.constant 0 : i32
    return %c0_i32, %c0_i32_0 : i32, i32
  }
  func.func @transform_2(%arg0: i32, %arg1: i32) -> (i32, i32) {
    %c0_i32 = arith.constant 0 : i32
    %c0_i32_0 = arith.constant 0 : i32
    %c0_i32_1 = arith.constant 0 : i32
    return %c0_i32, %c0_i32_0 : i32, i32
  }
  func.func @transform_3(%arg0: i32, %arg1: i32) -> (i32, i32) {
    %c0_i32 = arith.constant 0 : i32
    %c0_i32_0 = arith.constant 0 : i32
    %c0_i32_1 = arith.constant 0 : i32
    return %c0_i32, %c0_i32_0 : i32, i32
  }
  func.func @transform_4(%arg0: i32, %arg1: i32) -> (i32, i32, i32) {
    %c0_i32 = arith.constant 0 : i32
    %c0_i32_0 = arith.constant 0 : i32
    %c0_i32_1 = arith.constant 0 : i32
    return %arg0, %c0_i32, %c0_i32_0 : i32, i32, i32
  }
  func.func @transform_5(%arg0: i32, %arg1: i32) -> (i32, i32, i32) {
    %c0_i32 = arith.constant 0 : i32
    %c0_i32_0 = arith.constant 0 : i32
    %c0_i32_1 = arith.constant 0 : i32
    return %arg0, %c0_i32, %c0_i32_0 : i32, i32, i32
  }
}

module attributes {stable_mosaic.version = 14 : i64} {
  func.func @_expand_body(%arg0: i32, %arg1: memref<1x32x1024xf32, #tpu.memory_space<vmem>>, %arg2: memref<1x1024x128xf32, #tpu.memory_space<vmem>>, %arg3: memref<1x1x1024xi32, #tpu.memory_space<vmem>>, %arg4: memref<2x128x128xf32, #tpu.memory_space<vmem>>, %arg5: memref<512x32xf32, #tpu.memory_space<vmem>>, %arg6: memref<512x1xf32, #tpu.memory_space<vmem>>, %arg7: memref<1x512x1024xf32, #tpu.memory_space<vmem>>, %arg8: memref<1x1xf32, #tpu.memory_space<vmem>>, %arg9: memref<1x1xf32, #tpu.memory_space<vmem>>) attributes {dimension_semantics = [#tpu.dimension_semantics<arbitrary>], iteration_bounds = array<i64: 4>, scalar_prefetch = 0 : i64, scratch_operands = 0 : i64, tpu.core_type = #tpu.core_type<tc>, window_params = [{transform_indices = @transform_0, window_bounds = array<i64: 1, 32, 1024>}, {transform_indices = @transform_1, window_bounds = array<i64: 1, 1024, 128>}, {transform_indices = @transform_2, window_bounds = array<i64: 1, 1, 1024>}, {pipeline_mode = #tpu.pipeline_mode<synchronous>, transform_indices = @transform_3, window_bounds = array<i64: 2, 128, 128>}, {pipeline_mode = #tpu.pipeline_mode<synchronous>, transform_indices = @transform_4, window_bounds = array<i64: 512, 32>}, {pipeline_mode = #tpu.pipeline_mode<synchronous>, transform_indices = @transform_5, window_bounds = array<i64: 512, 1>}, {transform_indices = @transform_6, window_bounds = array<i64: 1, 512, 1024>}, {pipeline_mode = #tpu.pipeline_mode<synchronous>, transform_indices = @transform_7, window_bounds = array<i64: 1, 1>}, {pipeline_mode = #tpu.pipeline_mode<synchronous>, transform_indices = @transform_8, window_bounds = array<i64: 1, 1>}]} {
    %get3A = arith.constant 0 : index
    %get3A_0 = arith.constant 0 : index
    %get3A_1 = arith.constant 0 : index
    %get3A_2 = vector.load %arg3[%get3A, %get3A_0, %get3A_1] : memref<1x1x1024xi32, #tpu.memory_space<vmem>>, vector<1x1x1024xi32>
    %get3A_3 = vector.shape_cast %get3A_2 : vector<1x1x1024xi32> to vector<1x1024xi32>
    %and3A = arith.constant 3 : i32
    %and3A_4 = vector.broadcast %and3A : i32 to vector<1x1024xi32>
    %and3A_5 = arith.andi %get3A_3, %and3A_4 : vector<1x1024xi32>
    %transpose3A = tpu.transpose %and3A_5, [1, 0] : vector<1x1024xi32> -> vector<1024x1xi32>
    %get3A_6 = arith.constant 0 : index
    %get3A_7 = arith.constant 0 : index
    %get3A_8 = arith.constant 0 : index
    %get3A_9 = vector.load %arg2[%get3A_6, %get3A_7, %get3A_8] : memref<1x1024x128xf32, #tpu.memory_space<vmem>>, vector<1x1024x128xf32>
    %get3A_10 = vector.shape_cast %get3A_9 : vector<1x1024x128xf32> to vector<1024x128xf32>
    %broadcast_in_dim3A = arith.constant 0.000000e+00 : f32
    %broadcast_in_dim3A_11 = vector.broadcast %broadcast_in_dim3A : f32 to vector<1024x32xf32>
    %eq3A = arith.constant 0 : i32
    %eq3A_12 = vector.broadcast %eq3A : i32 to vector<1024x1xi32>
    %eq3A_13 = arith.cmpi eq, %transpose3A, %eq3A_12 : vector<1024x1xi32>
    %slice3A = vector.extract_strided_slice %get3A_10 {offsets = [0, 0], sizes = [1024, 32], strides = [1, 1]} : vector<1024x128xf32> to vector<1024x32xf32>
    %broadcast_in_dim3A_14 = vector.shape_cast %eq3A_13 : vector<1024x1xi1> to vector<1024x1xi1>
    %broadcast_in_dim3A_15 = vector.broadcast %broadcast_in_dim3A_14 : vector<1024x1xi1> to vector<1024x32xi1>
    %select_n3A = arith.select %broadcast_in_dim3A_15, %slice3A, %broadcast_in_dim3A_11 : vector<1024x32xi1>, vector<1024x32xf32>
    %eq3A_16 = arith.constant 1 : i32
    %eq3A_17 = vector.broadcast %eq3A_16 : i32 to vector<1024x1xi32>
    %eq3A_18 = arith.cmpi eq, %transpose3A, %eq3A_17 : vector<1024x1xi32>
    %slice3A_19 = vector.extract_strided_slice %get3A_10 {offsets = [0, 32], sizes = [1024, 32], strides = [1, 1]} : vector<1024x128xf32> to vector<1024x32xf32>
    %broadcast_in_dim3A_20 = vector.shape_cast %eq3A_18 : vector<1024x1xi1> to vector<1024x1xi1>
    %broadcast_in_dim3A_21 = vector.broadcast %broadcast_in_dim3A_20 : vector<1024x1xi1> to vector<1024x32xi1>
    %select_n3A_22 = arith.select %broadcast_in_dim3A_21, %slice3A_19, %select_n3A : vector<1024x32xi1>, vector<1024x32xf32>
    %eq3A_23 = arith.constant 2 : i32
    %eq3A_24 = vector.broadcast %eq3A_23 : i32 to vector<1024x1xi32>
    %eq3A_25 = arith.cmpi eq, %transpose3A, %eq3A_24 : vector<1024x1xi32>
    %slice3A_26 = vector.extract_strided_slice %get3A_10 {offsets = [0, 64], sizes = [1024, 32], strides = [1, 1]} : vector<1024x128xf32> to vector<1024x32xf32>
    %broadcast_in_dim3A_27 = vector.shape_cast %eq3A_25 : vector<1024x1xi1> to vector<1024x1xi1>
    %broadcast_in_dim3A_28 = vector.broadcast %broadcast_in_dim3A_27 : vector<1024x1xi1> to vector<1024x32xi1>
    %select_n3A_29 = arith.select %broadcast_in_dim3A_28, %slice3A_26, %select_n3A_22 : vector<1024x32xi1>, vector<1024x32xf32>
    %eq3A_30 = arith.constant 3 : i32
    %eq3A_31 = vector.broadcast %eq3A_30 : i32 to vector<1024x1xi32>
    %eq3A_32 = arith.cmpi eq, %transpose3A, %eq3A_31 : vector<1024x1xi32>
    %slice3A_33 = vector.extract_strided_slice %get3A_10 {offsets = [0, 96], sizes = [1024, 32], strides = [1, 1]} : vector<1024x128xf32> to vector<1024x32xf32>
    %broadcast_in_dim3A_34 = vector.shape_cast %eq3A_32 : vector<1024x1xi1> to vector<1024x1xi1>
    %broadcast_in_dim3A_35 = vector.broadcast %broadcast_in_dim3A_34 : vector<1024x1xi1> to vector<1024x32xi1>
    %select_n3A_36 = arith.select %broadcast_in_dim3A_35, %slice3A_33, %select_n3A_29 : vector<1024x32xi1>, vector<1024x32xf32>
    %mul3A = arith.mulf %select_n3A_36, %select_n3A_36 : vector<1024x32xf32>
    %reduce_sum3A = arith.constant dense<0.000000e+00> : vector<1024xf32>
    %reduce_sum3A_37 = vector.multi_reduction <add>, %mul3A, %reduce_sum3A [1] : vector<1024x32xf32> to vector<1024xf32>
    %broadcast_in_dim3A_38 = vector.shape_cast %reduce_sum3A_37 : vector<1024xf32> to vector<1024x1xf32>
    %sqrt3A = math.sqrt %broadcast_in_dim3A_38 : vector<1024x1xf32>
    %max3A = arith.constant 9.99999997E-7 : f32
    %max3A_39 = vector.broadcast %max3A : f32 to vector<1024x1xf32>
    %max3A_40 = arith.maximumf %sqrt3A, %max3A_39 : vector<1024x1xf32>
    %div3A = vector.broadcast %max3A_40 : vector<1024x1xf32> to vector<1024x32xf32>
    %div3A_41 = arith.divf %select_n3A_36, %div3A : vector<1024x32xf32>
    %transpose3A_42 = tpu.transpose %div3A_41, [1, 0] : vector<1024x32xf32> -> vector<32x1024xf32>
    %get3A_43 = arith.constant 0 : index
    %get3A_44 = arith.constant 0 : index
    %get3A_45 = vector.load %arg5[%get3A_43, %get3A_44] : memref<512x32xf32, #tpu.memory_space<vmem>>, vector<512x32xf32>
    %convert_element_type3A = arith.truncf %get3A_45 : vector<512x32xf32> to vector<512x32xbf16>
    %convert_element_type3A_46 = arith.truncf %transpose3A_42 : vector<32x1024xf32> to vector<32x1024xbf16>
    %dot_general3A = arith.constant dense<0.000000e+00> : vector<512x1024xf32>
    %dot_general3A_47 = tpu.matmul %convert_element_type3A, %convert_element_type3A_46, %dot_general3A {dimension_numbers = #tpu.dot_dimension_numbers<[1], [0], [0], [1], [0, 0, 1, 1], [], []>, transpose_lhs_hint = false} : vector<512x32xbf16>, vector<32x1024xbf16>, vector<512x1024xf32> -> vector<512x1024xf32>
    %get3A_48 = arith.constant 0 : index
    %get3A_49 = arith.constant 0 : index
    %get3A_50 = vector.load %arg6[%get3A_48, %get3A_49] : memref<512x1xf32, #tpu.memory_space<vmem>>, vector<512x1xf32>
    %add3A = vector.broadcast %get3A_50 : vector<512x1xf32> to vector<512x1024xf32>
    %add3A_51 = arith.addf %dot_general3A_47, %add3A : vector<512x1024xf32>
    %swap3A = arith.constant 0 : index
    %swap3A_52 = arith.constant 0 : index
    %swap3A_53 = arith.constant 0 : index
    %swap3A_54 = vector.load %arg7[%swap3A, %swap3A_52, %swap3A_53] : memref<1x512x1024xf32, #tpu.memory_space<vmem>>, vector<1x512x1024xf32>
    %swap3A_55 = vector.shape_cast %swap3A_54 : vector<1x512x1024xf32> to vector<512x1024xf32>
    %swap3A_56 = vector.shape_cast %add3A_51 : vector<512x1024xf32> to vector<1x512x1024xf32>
    tpu.vector_store %arg7[%swap3A, %swap3A_52, %swap3A_53], %swap3A_56 {strides = array<i32>} : memref<1x512x1024xf32, #tpu.memory_space<vmem>>, vector<1x512x1024xf32>,
    %get3A_57 = arith.constant 0 : index
    %get3A_58 = arith.constant 0 : index
    %get3A_59 = arith.constant 0 : index
    %get3A_60 = vector.load %arg1[%get3A_57, %get3A_58, %get3A_59] : memref<1x32x1024xf32, #tpu.memory_space<vmem>>, vector<1x32x1024xf32>
    %get3A_61 = vector.shape_cast %get3A_60 : vector<1x32x1024xf32> to vector<32x1024xf32>
    %sub3A = arith.subf %get3A_61, %transpose3A_42 : vector<32x1024xf32>
    %mul3A_62 = arith.mulf %sub3A, %sub3A : vector<32x1024xf32>
    %reduce_sum3A_63 = arith.constant dense<0.000000e+00> : vector<32xf32>
    %reduce_sum3A_64 = vector.multi_reduction <add>, %mul3A_62, %reduce_sum3A_63 [1] : vector<32x1024xf32> to vector<32xf32>
    %broadcast_in_dim3A_65 = vector.shape_cast %reduce_sum3A_64 : vector<32xf32> to vector<32x1xf32>
    %reduce_sum3A_66 = arith.constant dense<0.000000e+00> : vector<1xf32>
    %reduce_sum3A_67 = vector.multi_reduction <add>, %broadcast_in_dim3A_65, %reduce_sum3A_66 [0] : vector<32x1xf32> to vector<1xf32>
    %broadcast_in_dim3A_68 = vector.shape_cast %reduce_sum3A_67 : vector<1xf32> to vector<1x1xf32>
    %eq3A_69 = arith.constant 0 : i32
    %eq3A_70 = arith.cmpi eq, %arg0, %eq3A_69 : i32
    %convert_element_type3A_71 = arith.extui %eq3A_70 : i1 to i32
    %cond3A = arith.constant 0 : i32
    %cond3A_72 = arith.cmpi ne, %convert_element_type3A_71, %cond3A : i32
    scf.if %cond3A_72 {
      %broadcast_in_dim3A_83 = arith.constant 0.000000e+00 : f32
      %broadcast_in_dim3A_84 = vector.broadcast %broadcast_in_dim3A_83 : f32 to vector<1x1xf32>
      %swap3A_85 = arith.constant 0 : index
      %swap3A_86 = arith.constant 0 : index
      %swap3A_87 = vector.load %arg8[%swap3A_85, %swap3A_86] : memref<1x1xf32, #tpu.memory_space<vmem>>, vector<1x1xf32>
      tpu.vector_store %arg8[%swap3A_85, %swap3A_86], %broadcast_in_dim3A_84 {strides = array<i32>} : memref<1x1xf32, #tpu.memory_space<vmem>>, vector<1x1xf32>,
      %get3A_88 = arith.constant 0 : index
      %get3A_89 = arith.constant 0 : index
      %get3A_90 = arith.constant 0 : index
      %get3A_91 = vector.load %arg4[%get3A_88, %get3A_89, %get3A_90] : memref<2x128x128xf32, #tpu.memory_space<vmem>>, vector<1x128x128xf32>
      %get3A_92 = vector.shape_cast %get3A_91 : vector<1x128x128xf32> to vector<128x128xf32>
      %get3A_93 = arith.constant 1 : index
      %get3A_94 = arith.constant 0 : index
      %get3A_95 = arith.constant 0 : index
      %get3A_96 = vector.load %arg4[%get3A_93, %get3A_94, %get3A_95] : memref<2x128x128xf32, #tpu.memory_space<vmem>>, vector<1x128x128xf32>
      %get3A_97 = vector.shape_cast %get3A_96 : vector<1x128x128xf32> to vector<128x128xf32>
      %add3A_98 = arith.addf %get3A_92, %get3A_97 : vector<128x128xf32>
      %mul3A_99 = arith.constant 2.44140625E-4 : f32
      %mul3A_100 = vector.broadcast %mul3A_99 : f32 to vector<128x128xf32>
      %mul3A_101 = arith.mulf %add3A_98, %mul3A_100 : vector<128x128xf32>
      %add3A_102 = arith.constant 9.99999997E-7 : f32
      %add3A_103 = vector.broadcast %add3A_102 : f32 to vector<128x128xf32>
      %add3A_104 = arith.addf %mul3A_101, %add3A_103 : vector<128x128xf32>
      %log3A = math.log %add3A_104 : vector<128x128xf32>
      %mul3A_105 = arith.mulf %mul3A_101, %log3A : vector<128x128xf32>
      %reduce_sum3A_106 = arith.constant dense<0.000000e+00> : vector<128xf32>
      %reduce_sum3A_107 = vector.multi_reduction <add>, %mul3A_105, %reduce_sum3A_106 [1] : vector<128x128xf32> to vector<128xf32>
      %broadcast_in_dim3A_108 = vector.shape_cast %reduce_sum3A_107 : vector<128xf32> to vector<128x1xf32>
      %reduce_sum3A_109 = arith.constant dense<0.000000e+00> : vector<1xf32>
      %reduce_sum3A_110 = vector.multi_reduction <add>, %broadcast_in_dim3A_108, %reduce_sum3A_109 [0] : vector<128x1xf32> to vector<1xf32>
      %broadcast_in_dim3A_111 = vector.shape_cast %reduce_sum3A_110 : vector<1xf32> to vector<1x1xf32>
      %neg3A = arith.constant 0.000000e+00 : f32
      %neg3A_112 = vector.broadcast %neg3A : f32 to vector<1x1xf32>
      %neg3A_113 = arith.subf %neg3A_112, %broadcast_in_dim3A_111 : vector<1x1xf32>
      %exp3A = math.exp %neg3A_113 : vector<1x1xf32>
      %swap3A_114 = arith.constant 0 : index
      %swap3A_115 = arith.constant 0 : index
      %swap3A_116 = vector.load %arg9[%swap3A_114, %swap3A_115] : memref<1x1xf32, #tpu.memory_space<vmem>>, vector<1x1xf32>
      tpu.vector_store %arg9[%swap3A_114, %swap3A_115], %exp3A {strides = array<i32>} : memref<1x1xf32, #tpu.memory_space<vmem>>, vector<1x1xf32>,
    } else {
    }
    %get3A_73 = arith.constant 0 : index
    %get3A_74 = arith.constant 0 : index
    %get3A_75 = vector.load %arg8[%get3A_73, %get3A_74] : memref<1x1xf32, #tpu.memory_space<vmem>>, vector<1x1xf32>
    %mul3A_76 = arith.constant 7.62939453E-6 : f32
    %mul3A_77 = vector.broadcast %mul3A_76 : f32 to vector<1x1xf32>
    %mul3A_78 = arith.mulf %broadcast_in_dim3A_68, %mul3A_77 : vector<1x1xf32>
    %add3A_79 = arith.addf %get3A_75, %mul3A_78 : vector<1x1xf32>
    %swap3A_80 = arith.constant 0 : index
    %swap3A_81 = arith.constant 0 : index
    %swap3A_82 = vector.load %arg8[%swap3A_80, %swap3A_81] : memref<1x1xf32, #tpu.memory_space<vmem>>, vector<1x1xf32>
    tpu.vector_store %arg8[%swap3A_80, %swap3A_81], %add3A_79 {strides = array<i32>} : memref<1x1xf32, #tpu.memory_space<vmem>>, vector<1x1xf32>,
    return
  }
  func.func @transform_0(%arg0: i32) -> (i32, i32, i32) {
    %c0_i32 = arith.constant 0 : i32
    %c0_i32_0 = arith.constant 0 : i32
    %c0_i32_1 = arith.constant 0 : i32
    return %arg0, %c0_i32, %c0_i32_0 : i32, i32, i32
  }
  func.func @transform_1(%arg0: i32) -> (i32, i32, i32) {
    %c0_i32 = arith.constant 0 : i32
    %c0_i32_0 = arith.constant 0 : i32
    %c0_i32_1 = arith.constant 0 : i32
    return %arg0, %c0_i32, %c0_i32_0 : i32, i32, i32
  }
  func.func @transform_2(%arg0: i32) -> (i32, i32, i32) {
    %c0_i32 = arith.constant 0 : i32
    %c0_i32_0 = arith.constant 0 : i32
    %c0_i32_1 = arith.constant 0 : i32
    return %arg0, %c0_i32, %c0_i32_0 : i32, i32, i32
  }
  func.func @transform_3(%arg0: i32) -> (i32, i32, i32) {
    %c0_i32 = arith.constant 0 : i32
    %c0_i32_0 = arith.constant 0 : i32
    %c0_i32_1 = arith.constant 0 : i32
    %c0_i32_2 = arith.constant 0 : i32
    return %c0_i32, %c0_i32_0, %c0_i32_1 : i32, i32, i32
  }
  func.func @transform_4(%arg0: i32) -> (i32, i32) {
    %c0_i32 = arith.constant 0 : i32
    %c0_i32_0 = arith.constant 0 : i32
    %c0_i32_1 = arith.constant 0 : i32
    return %c0_i32, %c0_i32_0 : i32, i32
  }
  func.func @transform_5(%arg0: i32) -> (i32, i32) {
    %c0_i32 = arith.constant 0 : i32
    %c0_i32_0 = arith.constant 0 : i32
    %c0_i32_1 = arith.constant 0 : i32
    return %c0_i32, %c0_i32_0 : i32, i32
  }
  func.func @transform_6(%arg0: i32) -> (i32, i32, i32) {
    %c0_i32 = arith.constant 0 : i32
    %c0_i32_0 = arith.constant 0 : i32
    %c0_i32_1 = arith.constant 0 : i32
    return %arg0, %c0_i32, %c0_i32_0 : i32, i32, i32
  }
  func.func @transform_7(%arg0: i32) -> (i32, i32) {
    %c0_i32 = arith.constant 0 : i32
    %c0_i32_0 = arith.constant 0 : i32
    %c0_i32_1 = arith.constant 0 : i32
    return %c0_i32, %c0_i32_0 : i32, i32
  }
  func.func @transform_8(%arg0: i32) -> (i32, i32) {
    %c0_i32 = arith.constant 0 : i32
    %c0_i32_0 = arith.constant 0 : i32
    %c0_i32_1 = arith.constant 0 : i32
    return %c0_i32, %c0_i32_0 : i32, i32
  }
}

</mosaic_0001>

<sc_bundles>
// kernel: kernel.5.cloned.1.call-start
scs
__scs_entry_jumppad:
0x0: {  	(pc) =	sbr.rel $0x88, $3  }
0x1: {  	(tag) =	ssettag $0x0;
	lr =	simm.s32 $0x1  }
0x2: {  	[smem:$0x3F9B] =	sst lr;
	_ =	strace $0xD0000000  }
0x3: {  	_ = 	snop  }
0x4: {  	_ = 	snop  }
0x5: {  	_ = 	snop  }
0x6: {  	_ = 	snop  }
0x7: {  	_ = 	snop  }
__scs_overlays_trampoline_lowered:
0x8: {  	[smem:$0x3FAA] =	sst s0  }
0x9: {  	[smem:$0x3FAB] =	sst s1  }
0xa: {  	[smem:$0x3FAC] =	sst s2  }
0xb: {  	[smem:$0x3FAD] =	sst s3  }
0xc: {  	[smem:$0x3FAE] =	sst s4  }
0xd: {  	[smem:$0x3FAF] =	sst s5  }
0xe: {  	[smem:$0x3FB0] =	sst s6  }
0xf: {  	[smem:$0x3FB1] =	sst s7  }
0x10: {  	[smem:$0x3FB2] =	sst s8  }
0x11: {  	[smem:$0x3FB3] =	sst s9;
	s0 =	simm.s32 @!p0 $0x0  }
0x12: {  	s1 =	sld [smem:$0x3F99];
	s0 =	simm.s32 @p0 $0x1  }
0x13: {  	[smem:$0x3FB4] =	sst s0;
	s0 =	simm.s32 @!p1 $0x0  }
0x14: {  	s2 =	sld [smem:$0x3F98];
	s0 =	simm.s32 @p1 $0x1  }
0x15: {  	[smem:$0x3FB5] =	sst s0;
	s0 =	simm.s32 @!p2 $0x0  }
0x16: {  	s3 =	sld [smem:$0x3FDB];
	s0 =	simm.s32 @p2 $0x1  }
0x17: {  	s4 =	simm.s32 $0x1BF5;
	[smem:$0x3FB7] =	sst s0  }
0x18: {  	s0 =	sld [smem:$0x3F9A];
	_ =	swait.ge [sflag:s4], $0x0  }
0x19: {  	s7 =	sld [smem:$0x3F9B]  }
0x1a: {  	s8 =	sadd.s32 $0xFFFFE003, lr  }
0x1b: {  	s9 =	sadd.s32 $0xFFFFFEF7, lr;
	s5 =	simm.s32 $0xFFFFFFFF;
	p2 =	slt.u32 s8, $0xFFFFF086  }
0x1c: {  	p1 =	slt.u32 s9, $0xF7A;
	s5 =	simm.s32 @!p2 $0x0  }
0x1d: {  	s5 =	simm.s32 @p1 $0x1;
	p0 =	seq.s32 s7, s2  }
0x1e: {  	s7 =	smul.u32 @!p0 $0xF7A, s2;
	p2 =	seq.s32 @!p0 s5, $0x0  }
0x1f: {  	s9 =	smul.u32 $0xF7A, s1;
	s8 =	simm.s32 @!p0 $0x1BF5;
	p2 =	por !p2, p0  }
0x20: {  	[sflag:s8] =	ssyncset.s32 @!p0 $0xFFFFF086;
	s6 =	sadd.s32 @!p0 s3, s7;
	s7 =	simm.s32 @!p0 $0x108  }
0x21: {  	s3 =	sadd.s32 s3, s9;
	s6 =	sadd.s32 @!p0 $0x88, s6;
	s7 =	simm.s32 @p2 $0x1082  }
0x22: {  	[simem:s7], [sflag:s8] =	dma.local @!p0 [hbm:s6], $0xF7A  }
0x23: {  	s9 =	sor.u32 $0xD0000000, s2;
	s6 =	simm.s32 $0x108;
	_ =	swait.ge @!p0 [sflag:s8], $0x0  }
0x24: {  	s3 =	sadd.s32 $0x88, s3;
	s6 =	simm.s32 @!p1 $0x1082;
	[sflag:s4] =	ssyncset.s32 $0xFFFFF086  }
0x25: {  	[simem:s6], [sflag:s4] =	dma.local [hbm:s3], $0xF7A  }
0x26: {  	[smem:$0x3F9B] =	sst s1;
	(tag) =	ssettag s2;
	_ =	strace s9  }
0x27: {  	s1 =	sld [smem:$0x3FAB]  }
0x28: {  	s2 =	sld [smem:$0x3FAC]  }
0x29: {  	s4 =	sld [smem:$0x3FAE]  }
0x2a: {  	p0 =	seq.s32 s5, $0x0;
	s5 =	sld [smem:$0x3FAF]  }
0x2b: {  	s6 =	sld [smem:$0x3FB0]  }
0x2c: {  	s7 =	sld [smem:$0x3FB1]  }
0x2d: {  	s3 =	simm.s32 $0x108;
	s8 =	sld [smem:$0x3FB2]  }
0x2e: {  	s3 =	simm.s32 @!p0 $0x1082;
	s9 =	sld [smem:$0x3FB3]  }
0x2f: {  	lr =	sadd.s32 s0, s3;
	s0 =	sld [smem:$0x3FAA]  }
0x30: {  	s3 =	sld [smem:$0x3FAD]  }
0x31: {  	[smem:$0x3FB6] =	sst s10  }
0x32: {  	s10 =	sld [smem:$0x3FB4];
	_ =	sdelay $0x3  }
0x33: {  	p0 =	seq.s32 s10, $0x1;
	s10 =	sld [smem:$0x3FB6];
	_ =	sdelay $0x3  }
0x34: {  	[smem:$0x3FB6] =	sst s10  }
0x35: {  	s10 =	sld [smem:$0x3FB5];
	_ =	sdelay $0x3  }
0x36: {  	p1 =	seq.s32 s10, $0x1;
	s10 =	sld [smem:$0x3FB6];
	_ =	sdelay $0x3  }
0x37: {  	[smem:$0x3FB6] =	sst s10  }
0x38: {  	s10 =	sld [smem:$0x3FB7]  }
0x39: {  	_ = 	snop;
	(pc) =	sbr.ind lr, $3  }
0x3a: {  	_ = 	snop  }
0x3b: {  	_ = 	snop  }
0x3c: {  	p2 =	seq.s32 s10, $0x1;
	s10 =	sld [smem:$0x3FB6]  }
0x3d: {  	_ =	shalt  }
0x3e: {  	_ =	shalt  }
0x3f: {  	_ =	shalt  }
0x40: {  	_ =	shalt  }
0x41: {  	_ =	shalt  }
0x42: {  	_ =	shalt  }
0x43: {  	_ =	shalt  }
0x44: {  	_ =	shalt  }
0x45: {  	_ =	shalt  }
0x46: {  	_ =	shalt  }
0x47: {  	_ =	shalt  }
0x48: {  	_ =	shalt  }
0x49: {  	_ =	shalt  }
0x4a: {  	_ =	shalt  }
0x4b: {  	_ =	shalt  }
0x4c: {  	_ =	shalt  }
0x4d: {  	_ =	shalt  }
0x4e: {  	_ =	shalt  }
0x4f: {  	_ =	shalt  }
0x50: {  	_ =	shalt  }
0x51: {  	_ =	shalt  }
0x52: {  	_ =	shalt  }
0x53: {  	_ =	shalt  }
0x54: {  	_ =	shalt  }
0x55: {  	_ =	shalt  }
0x56: {  	_ =	shalt  }
0x57: {  	_ =	shalt  }
0x58: {  	_ =	shalt  }
0x59: {  	_ =	shalt  }
0x5a: {  	_ =	shalt  }
0x5b: {  	_ =	shalt  }
0x5c: {  	_ =	shalt  }
0x5d: {  	_ =	shalt  }
0x5e: {  	_ =	shalt  }
0x5f: {  	_ =	shalt  }
0x60: {  	_ =	shalt  }
0x61: {  	_ =	shalt  }
0x62: {  	_ =	shalt  }
0x63: {  	_ =	shalt  }
0x64: {  	_ =	shalt  }
0x65: {  	_ =	shalt  }
0x66: {  	_ =	shalt  }
0x67: {  	_ =	shalt  }
0x68: {  	_ =	shalt  }
0x69: {  	_ =	shalt  }
0x6a: {  	_ =	shalt  }
0x6b: {  	_ =	shalt  }
0x6c: {  	_ =	shalt  }
0x6d: {  	_ =	shalt  }
0x6e: {  	_ =	shalt  }
0x6f: {  	_ =	shalt  }
0x70: {  	_ =	shalt  }
0x71: {  	_ =	shalt  }
0x72: {  	_ =	shalt  }
0x73: {  	_ =	shalt  }
0x74: {  	_ =	shalt  }
0x75: {  	_ =	shalt  }
0x76: {  	_ =	shalt  }
0x77: {  	_ =	shalt  }
0x78: {  	_ =	shalt  }
0x79: {  	_ =	shalt  }
0x7a: {  	_ =	shalt  }
0x7b: {  	_ =	shalt  }
0x7c: {  	_ =	shalt  }
0x7d: {  	_ =	shalt  }
0x7e: {  	_ =	shalt  }
0x7f: {  	_ =	shalt  }
0x80: {  	_ =	shalt  }
0x81: {  	_ =	shalt  }
0x82: {  	_ =	shalt  }
0x83: {  	_ =	shalt  }
0x84: {  	_ =	shalt  }
0x85: {  	_ =	shalt  }
0x86: {  	_ =	shalt  }
0x87: {  	_ =	shalt  }
.Lfunc_end0:
.L_simem_size_0:
called_computation_lowered:
.L_overlay_start_0:
0x88: {  	s2 =	sld [smem:$0x3FD9]  }
0x89: {  	s3 =	sld [smem:$0x3FFE];
	_ =	sdelay $0x1  }
0x8a: {  	s1 =	srdreg.scid  }
0x8b: {  	s0 =	sand.u32 $0x1, s1  }
0x8c: {  	s14 =	sshll.u32 s0, $0xA;
	s2 =	sadd.s32 s3, s2  }
0x8d: {  	s2 =	sadd.s32 s2, s14  }
0x8e: {  	[smem:$0x3FC2] =	sst s2  }
0x8f: {  	_ = 	snop  }
0x90: {  	s2 =	sld [smem:$0x3FD0];
	_ =	sdelay $0x2  }
0x91: {  	s15 =	simm.s32 $0xA;
	s4 =	simm.s32 $0x10  }
0x92: {  	[smem:s4], [sflag:s15] =	dma.local [hbm:s2], $0x1  }
0x93: {  	_ =	swait.eq [sflag:s15], $0x1  }
0x94: {  	[sflag:s15] =	ssyncset.done $0x0  }
0x95: {  	[sflag:s15] =	ssyncadd.s32 $0xFFFFFFFF  }
0x96: {  	s16 =	sld [smem:$0x10];
	(tm) =	ssettm $0x1  }
0x97: {  	s17 =	sld [smem:$0x3FFB];
	_ =	sdelay $0x3  }
0x98: {  	_ =	strace s17  }
0x99: {  	s3 =	sld [smem:$0x3FFC];
	_ =	sdelay $0x3  }
0x9a: {  	_ =	strace s3  }
0x9b: {  	s3 =	sld [smem:$0x3FFD];
	_ =	sdelay $0x3  }
0x9c: {  	_ =	strace s3  }
0x9d: {  	_ =	strace $0x8FFFFFFF  }
0x9e: {  	s18 =	sld [smem:$0x3FDB];
	_ =	sdelay $0x1  }
0x9f: {  	s19 =	simm.s32 $_scs_section_size  }
0xa0: {  	s5 =	simm.s32 $_size__tile_overlayer_lowered;
	s6 =	simm.s32 $_tile_overlayer_lowered  }
0xa1: {  	s22 =	simm.s32 $0x1BFF;
	s21 =	sshll.u32 s6, $0x1;
	s3 =	sadd.s32 s19, s18  }
0xa2: {  	s7 =	simm.s32 $0x0;
	s20 =	sshll.u32 s5, $0x1;
	s5 =	sadd.s32 s21, s3  }
0xa3: {  	[timem:s7], [sflag:s22] =	dma.local [hbm:s5], s20  }
0xa4: {  	_ =	swait.ge [sflag:s22], s20  }
0xa5: {  	s4 =	ssub.s32 $0x0, s20;
	[sflag:s22] =	ssyncset.done $0x0  }
0xa6: {  	[sflag:s22] =	ssyncadd.s32 s4;
	_ =	sdelay $0x1  }
0xa7: {  	s23 =	simm.s32 $0x1B8B  }
0xa8: {  	_ =	swait.ge [sflag:s23], $0x1  }
0xa9: {  	[sflag:s23] =	ssyncset.done $0x0  }
0xaa: {  	s25 =	simm.s32 $0x1B8E;
	s24 =	sld [smem:$0x3FFE];
	[sflag:s23] =	ssyncadd.s32 $0xFFFFFFFF  }
0xab: {  	s26 =	simm.s32 $execute0_lowered;
	[smem:$0x3FD2] =	sst s25  }
0xac: {  	s5 =	sshll.u32 s26, $0x1;
	_ =	strace $0x80000046;
	[dreg:$0x1] =	wrdreg $0xFFFFFFFF  }
0xad: {  	s28 =	simm.s32 $_size_execute0_lowered;
	s3 =	sadd.s32 s3, s5;
	[dreg:$0x0] =	wrdreg $0x0  }
0xae: {  	s5 =	sshll.u32 s28, $0x1;
	[dreg:$0x2] =	wrdreg s3  }
0xaf: {  	[dreg:$0x3] =	wrdreg s5  }
0xb0: {  	[dreg:$0x4] =	wrdreg $0xC0  }
0xb1: {  	_ =	task [dreg:s7], $0x5FFFF  }
0xb2: {  	[dreg:$0x1] =	wrdreg $0xFFFFFFFF  }
0xb3: {  	[dreg:$0x0] =	wrdreg $0x60  }
0xb4: {  	[dreg:$0x2] =	wrdreg s24  }
0xb5: {  	[dreg:$0x3] =	wrdreg s16  }
0xb6: {  	[dreg:$0x4] =	wrdreg $0x45800  }
0xb7: {  	[dreg:$0x5] =	wrdreg $0x9  }
0xb8: {  	_ =	task.clear_ibuf [dreg:s7], $0x6FFFF;
	_ =	strace $0x90000046  }
0xb9: {  	s29 =	simm.s32 $0x9;
	_ =	strace $0x80000048  }
0xba: {  	_ =	swait.ge [sflag:s29], $0x1  }
0xbb: {  	[sflag:s29] =	ssyncadd.s32 $0xFFFFFFFF  }
0xbc: {  	_ =	strace $0x90000048  }
0xbd: {  	_ =	sfence  }
0xbe: {  	s30 =	sld [smem:$0x0];
	_ =	sdelay $0x2  }
0xbf: {  	s31 =	sshll.u32 s1, $0xD;
	s1 =	sshrl.u32 s1, $0x2  }
0xc0: {  	s3 =	sand.u32 $0x4000, s31;
	s1 =	sadd.s32 s1, s30  }
0xc1: {  	s0 =	sor.u32 s3, s0;
	s1 =	sshll.u32 s1, $0x11  }
0xc2: {  	s0 =	sor.u32 s1, s0  }
0xc3: {  	s0 =	sadd.s32 $0x8F2B, s0  }
0xc4: {  	[sflag:s0] =	ssyncadd.remote.s32 $0x1  }
0xc5: {  	_ =	sfence.sel $0xFFFF  }
0xc6: {  	[dreg:$0x0] =	wrdreg $0xFFFFFFFF;
	(pc) =	sbr.abs _section_cstart, $3  }
0xc7: {  	[dreg:$0x1] =	wrdreg $0xFFFFFFFF  }
0xc8: {  	_ =	task.clear_ibuf [dreg:s7], $0x2FFFF;
	_ =	strace $0x9FFFFFFF  }
0xc9: {  	(tm) =	ssettm $0x7FFFFFFF  }
tec
execute0_lowered:
.L_overlay_start_1:
0x0: {  	(tag) =	ssettag $0x1  }
0x1: {  	s12 =	rddreg [dreg:$0x0]  }
0x2: {  	s1 =	rddreg [dreg:$0x1]  }
0x3: {  	s2 =	rddreg [dreg:$0x2];
	s3 =	simm.s32 $0x0  }
0x4: {  	v0 =	vimm.f32 $0.0e+00;
	[smem:$0x7FF] =	sst s3  }
0x5: {  	s0 =	rddreg [dreg:$0x3];
	_ =	strace $0x80000047;
	[tilespmem:$0x4210] =	vst v0  }
0x6: {  	[tilespmem:$0x4220] =	vst v0  }
0x7: {  	[tilespmem:$0x4230] =	vst v0  }
0x8: {  	[tilespmem:$0x4240] =	vst v0  }
0x9: {  	[tilespmem:$0x4250] =	vst v0  }
0xa: {  	[tilespmem:$0x4260] =	vst v0  }
0xb: {  	[tilespmem:$0x4270] =	vst v0  }
0xc: {  	[tilespmem:$0x4280] =	vst v0  }
0xd: {  	[tilespmem:$0x4290] =	vst v0  }
0xe: {  	[tilespmem:$0x42A0] =	vst v0  }
0xf: {  	[tilespmem:$0x42B0] =	vst v0  }
0x10: {  	[tilespmem:$0x42C0] =	vst v0  }
0x11: {  	[tilespmem:$0x42D0] =	vst v0  }
0x12: {  	v1 =	vimm.f32 $1.000000000e+00;
	[tilespmem:$0x4180] =	vst v0  }
0x13: {  	[tilespmem:$0x4170] =	vst v1  }
0x14: {  	[tilespmem:$0x4160] =	vst v1  }
0x15: {  	[tilespmem:$0x4150] =	vst v1  }
0x16: {  	[tilespmem:$0x4140] =	vst v1  }
0x17: {  	[tilespmem:$0x4130] =	vst v1  }
0x18: {  	[tilespmem:$0x4120] =	vst v1  }
0x19: {  	[tilespmem:$0x4110] =	vst v1  }
0x1a: {  	[tilespmem:$0x4100] =	vst v1  }
0x1b: {  	[tilespmem:$0x4570] =	vst v0  }
0x1c: {  	[tilespmem:$0x4560] =	vst v0  }
0x1d: {  	[tilespmem:$0x4550] =	vst v0  }
0x1e: {  	[tilespmem:$0x4540] =	vst v0  }
0x1f: {  	[tilespmem:$0x4530] =	vst v0  }
0x20: {  	[tilespmem:$0x4520] =	vst v0  }
0x21: {  	[tilespmem:$0x4510] =	vst v0  }
0x22: {  	[tilespmem:$0x4500] =	vst v0  }
0x23: {  	[tilespmem:$0x44F0] =	vst v0  }
0x24: {  	[tilespmem:$0x44E0] =	vst v0  }
0x25: {  	[tilespmem:$0x44D0] =	vst v0  }
0x26: {  	[tilespmem:$0x44C0] =	vst v0  }
0x27: {  	[tilespmem:$0x44B0] =	vst v0  }
0x28: {  	[tilespmem:$0x44A0] =	vst v0  }
0x29: {  	[tilespmem:$0x4490] =	vst v0  }
0x2a: {  	[tilespmem:$0x4480] =	vst v0  }
0x2b: {  	[tilespmem:$0x4470] =	vst v0  }
0x2c: {  	[tilespmem:$0x4460] =	vst v0  }
0x2d: {  	[tilespmem:$0x4450] =	vst v0  }
0x2e: {  	[tilespmem:$0x4440] =	vst v0  }
0x2f: {  	[tilespmem:$0x4430] =	vst v0  }
0x30: {  	[tilespmem:$0x4420] =	vst v0  }
0x31: {  	[tilespmem:$0x4410] =	vst v0  }
0x32: {  	[tilespmem:$0x4400] =	vst v0  }
0x33: {  	[tilespmem:$0x43F0] =	vst v0  }
0x34: {  	[tilespmem:$0x43E0] =	vst v0  }
0x35: {  	[tilespmem:$0x43D0] =	vst v0  }
0x36: {  	[tilespmem:$0x43C0] =	vst v0  }
0x37: {  	[tilespmem:$0x43B0] =	vst v0  }
0x38: {  	[tilespmem:$0x43A0] =	vst v0  }
0x39: {  	[tilespmem:$0x4390] =	vst v0  }
0x3a: {  	[tilespmem:$0x4380] =	vst v0  }
0x3b: {  	[tilespmem:$0x4370] =	vst v0  }
0x3c: {  	[tilespmem:$0x4360] =	vst v0  }
0x3d: {  	[tilespmem:$0x4350] =	vst v0  }
0x3e: {  	[tilespmem:$0x4340] =	vst v0  }
0x3f: {  	[tilespmem:$0x4330] =	vst v0  }
0x40: {  	[tilespmem:$0x4320] =	vst v0  }
0x41: {  	[tilespmem:$0x4310] =	vst v0  }
0x42: {  	[tilespmem:$0x4300] =	vst v0  }
0x43: {  	[tilespmem:$0x42F0] =	vst v0  }
0x44: {  	[tilespmem:$0x42E0] =	vst v0  }
0x45: {  	[tilespmem:$0x4200] =	vst v0  }
0x46: {  	s4 =	srdreg.scid;
	[tilespmem:$0x41F0] =	vst v0  }
0x47: {  	s13 =	stileid.u32;
	s14 =	sand.u32 $0x1, s4;
	[tilespmem:$0x41E0] =	vst v0  }
0x48: {  	s30 =	sshll.u32 s13, $0x8;
	s5 =	sshll.u32 s14, $0x7;
	[tilespmem:$0x41D0] =	vst v0  }
0x49: {  	[tilespmem:$0x41C0] =	vst v0;
	s9 =	sor.u32 s5, s30  }
0x4a: {  	[tilespmem:$0x41B0] =	vst v0;
	s4 =	sshrl.u32 s9, $0x3  }
0x4b: {  	[tilespmem:$0x41A0] =	vst v0;
	s4 =	sadd.s32 s4, s12  }
0x4c: {  	[tilespmem:$0x4190] =	vst v0;
	s5 =	sadd.s32 $0x1A00, s4;
	s4 =	simm.s32 $0x2  }
0x4d: {  	[tilespmem:s3], [sflag:$0x2] =	stream.linear.gather [hbm4b:s5+s3], $0x80, $0x38;
	[tilespmem:$0x4980] =	vst v63  }
0x4e: {  	_ =	swait.ge [sflag:s4], $0x80  }
0x4f: {  	[sflag:s4] =	ssyncset.done $0x0  }
0x50: {  	[sflag:s4] =	ssyncadd.s32 $0xFFFFFF80  }
0x51: {  	v2 =	vld [tilespmem:$0x60]  }
0x52: {  	v3 =	vld [tilespmem:$0x40]  }
0x53: {  	v5 =	vld [tilespmem:$0x50]  }
0x54: {  	v7 =	vld [tilespmem:$0x10]  }
0x55: {  	v4 =	vld [tilespmem:$0x70]  }
0x56: {  	v6 =	vld [tilespmem:$0x20];
	v2 =	vshrl.u32 v2, $0x2  }
0x57: {  	v8 =	vld [tilespmem:$0x30];
	v3 =	vshrl.u32 v3, $0x2;
	[tilespmem:$0xE0] =	vst v2  }
0x58: {  	v62 =	vshrl.u32 v5, $0x2;
	v2 =	vld [tilespmem:$0x0];
	[tilespmem:$0xC0] =	vst v3  }
0x59: {  	v63 =	vshrl.u32 v7, $0x2;
	[tilespmem:$0xD0] =	vst v62  }
0x5a: {  	v3 =	vshrl.u32 v4, $0x2;
	[tilespmem:$0x90] =	vst v63  }
0x5b: {  	[tilespmem:$0xF0] =	vst v3;
	v3 =	vshrl.u32 v6, $0x2  }
0x5c: {  	[tilespmem:$0xA0] =	vst v3;
	v3 =	vshrl.u32 v8, $0x2  }
0x5d: {  	[tilespmem:$0xB0] =	vst v3;
	v2 =	vshrl.u32 v2, $0x2  }
0x5e: {  	s6 =	simm.s32 $0x80;
	s7 =	simm.s32 $0x100;
	s8 =	simm.s32 $0x1;
	[tilespmem:$0x80] =	vst v2  }
0x5f: {  	[tilespmem:s7], [sflag:$0x1] =	stream.indirect.gather [hbm4b:s1+s6], $0x80, s6, s6, $0xb8;
	[tilespmem:$0x4980] =	vst v63  }
0x60: {  	s15 =	ssub.s32 $0x2, s14;
	s9 =	sshll.u32 s9, $0x4;
	_ =	swait.ge [sflag:s8], $0x4000  }
0x61: {  	s16 =	sshrl.u32 s15, $0x1;
	s9 =	sadd.s32 s9, s12;
	[sflag:s8] =	ssyncset.done $0x0  }
0x62: {  	s15 =	ssub.s32 s15, s16;
	s9 =	sadd.s32 $0x2C00, s9;
	[sflag:s8] =	ssyncadd.s32 $0xFFFFC000  }
0x63: {  	[hbm4b:s9+s3] =	stream.linear.scatter [tilespmem:s7], [sflag:$0x2], $0x4000, $0x38;
	[tilespmem:$0x4980] =	vst v63  }
0x64: {  	s11 =	simm.s32 $0x4180;
	s15 =	smax.u32 s15, $0x1;
	_ =	swait.ge [sflag:s4], $0x4000  }
0x65: {  	s10 =	sshll.u32 s13, $0xA;
	s15 =	sadd.s32 $0xFFFFFFFF, s15;
	[sflag:s4] =	ssyncset.done $0x0  }
0x66: {  	s10 =	sadd.s32 s10, s2;
	p1 =	sne.s32 s15, $0x0;
	[sflag:s4] =	ssyncadd.s32 $0xFFFFC000  }
0x67: {  	[spmem:s10] =	stream.linear.scatter [tilespmem:s11], [sflag:$0x2], $0x400, $0x38;
	[tilespmem:$0x4980] =	vst v63  }
.Ltmp0:
0x68: {  	_ =	swait.ge [sflag:s4], $0x400;
	(pc) =	sbr.rel @!p1 .LBB2_2-.Ltmp0, $4  }
0x69: {  	p0 =	sne.s32 s13, $0x0;
	s31 =	sshll.u32 s14, $0x4;
	[sflag:s4] =	ssyncset.done $0x0  }
0x6a: {  	s14 =	simm.s32 $0x4100;
	s12 =	sadd.s32 s31, s12;
	[sflag:s4] =	ssyncadd.s32 $0xFFFFFC00  }
0x6b: {  	s13 =	sshrl.u32 @!p0 s2, $0x3;
	s12 =	sadd.s32 $0x1C00, s12;
	[bflag:$0x0] =	sbarrier.arrive $0xFFFF  }
0x6c: {  	[spmem:s2] =	stream.indirect.scatter.add.f32 [tilespmem:s14], [sflag:$0x2], $0x1, s3, s6, $0xb8;
	[tilespmem:$0x4980] =	vst v63  }
.LBB2_1:
0x6d: {  	s15 =	sadd.s32 $0xFFFFFFFF, s15;
	_ =	swait.ge [sflag:s4], $0x80  }
0x6e: {  	s16 =	simm.s32 @!p0 $0x2;
	p1 =	sne.s32 s15, $0x0;
	[sflag:s4] =	ssyncset.done $0x0  }
0x6f: {  	s17 =	simm.s32 @!p0 $0x10;
	s18 =	simm.s32 @!p0 $0x1C02;
	[sflag:s4] =	ssyncadd.s32 $0xFFFFFF80  }
0x70: {  	s19 =	simm.s32 @!p0 $0x1;
	s20 =	simm.s32 @!p0 $0x20;
	[bflag:$0x0] =	sbarrier.arrive $0xFFFF  }
0x71: {  	[hbm:s12@s20], [sflag:s18] =	dma.strided @!p0 [spmem:s13@s17], $0x800, s19, $0x10   }
0x72: {  	_ =	swait.ge @!p0 [sflag:s16], $0x800  }
0x73: {  	[sflag:s16] =	ssyncset.done @!p0 $0x0  }
0x74: {  	[sflag:s16] =	ssyncadd.s32 @!p0 $0xFFFFF800  }
0x75: {  	[tilespmem:$0x4210] =	vst v0  }
0x76: {  	[tilespmem:$0x4220] =	vst v0  }
0x77: {  	[tilespmem:$0x4230] =	vst v0  }
0x78: {  	[tilespmem:$0x4240] =	vst v0  }
0x79: {  	[tilespmem:$0x4250] =	vst v0  }
0x7a: {  	[tilespmem:$0x4260] =	vst v0  }
0x7b: {  	[tilespmem:$0x4270] =	vst v0  }
0x7c: {  	[tilespmem:$0x4280] =	vst v0  }
0x7d: {  	[tilespmem:$0x4290] =	vst v0  }
0x7e: {  	[tilespmem:$0x42A0] =	vst v0  }
0x7f: {  	[tilespmem:$0x42B0] =	vst v0  }
0x80: {  	[tilespmem:$0x42C0] =	vst v0  }
0x81: {  	[tilespmem:$0x42D0] =	vst v0  }
0x82: {  	[tilespmem:$0x4180] =	vst v0  }
0x83: {  	[tilespmem:$0x4170] =	vst v1  }
0x84: {  	[tilespmem:$0x4160] =	vst v1  }
0x85: {  	[tilespmem:$0x4150] =	vst v1  }
0x86: {  	[tilespmem:$0x4140] =	vst v1  }
0x87: {  	[tilespmem:$0x4130] =	vst v1  }
0x88: {  	[tilespmem:$0x4120] =	vst v1  }
0x89: {  	[tilespmem:$0x4110] =	vst v1  }
0x8a: {  	[tilespmem:$0x4100] =	vst v1  }
0x8b: {  	[tilespmem:$0x4570] =	vst v0  }
0x8c: {  	[tilespmem:$0x4560] =	vst v0  }
0x8d: {  	[tilespmem:$0x4550] =	vst v0  }
0x8e: {  	[tilespmem:$0x4540] =	vst v0  }
0x8f: {  	[tilespmem:$0x4530] =	vst v0  }
0x90: {  	[tilespmem:$0x4520] =	vst v0  }
0x91: {  	[tilespmem:$0x4510] =	vst v0  }
0x92: {  	[tilespmem:$0x4500] =	vst v0  }
0x93: {  	[tilespmem:$0x44F0] =	vst v0  }
0x94: {  	[tilespmem:$0x44E0] =	vst v0  }
0x95: {  	[tilespmem:$0x44D0] =	vst v0  }
0x96: {  	[tilespmem:$0x44C0] =	vst v0  }
0x97: {  	[tilespmem:$0x44B0] =	vst v0  }
0x98: {  	[tilespmem:$0x44A0] =	vst v0  }
0x99: {  	[tilespmem:$0x4490] =	vst v0  }
0x9a: {  	[tilespmem:$0x4480] =	vst v0  }
0x9b: {  	[tilespmem:$0x4470] =	vst v0  }
0x9c: {  	[tilespmem:$0x4460] =	vst v0  }
0x9d: {  	[tilespmem:$0x4450] =	vst v0  }
0x9e: {  	[tilespmem:$0x4440] =	vst v0  }
0x9f: {  	[tilespmem:$0x4430] =	vst v0  }
0xa0: {  	[tilespmem:$0x4420] =	vst v0  }
0xa1: {  	[tilespmem:$0x4410] =	vst v0  }
0xa2: {  	[tilespmem:$0x4400] =	vst v0  }
0xa3: {  	[tilespmem:$0x43F0] =	vst v0  }
0xa4: {  	[tilespmem:$0x43E0] =	vst v0  }
0xa5: {  	[tilespmem:$0x43D0] =	vst v0  }
0xa6: {  	[tilespmem:$0x43C0] =	vst v0  }
0xa7: {  	[tilespmem:$0x43B0] =	vst v0  }
0xa8: {  	[tilespmem:$0x43A0] =	vst v0  }
0xa9: {  	[tilespmem:$0x4390] =	vst v0  }
0xaa: {  	[tilespmem:$0x4380] =	vst v0  }
0xab: {  	[tilespmem:$0x4370] =	vst v0  }
0xac: {  	[tilespmem:$0x4360] =	vst v0  }
0xad: {  	[tilespmem:$0x4350] =	vst v0  }
0xae: {  	[tilespmem:$0x4340] =	vst v0  }
0xaf: {  	[tilespmem:$0x4330] =	vst v0  }
0xb0: {  	[tilespmem:$0x4320] =	vst v0  }
0xb1: {  	[tilespmem:$0x4310] =	vst v0  }
0xb2: {  	[tilespmem:$0x4300] =	vst v0  }
0xb3: {  	[tilespmem:$0x42F0] =	vst v0  }
0xb4: {  	[tilespmem:$0x42E0] =	vst v0  }
0xb5: {  	[tilespmem:$0x4200] =	vst v0  }
0xb6: {  	[tilespmem:$0x41F0] =	vst v0  }
0xb7: {  	[tilespmem:$0x41E0] =	vst v0  }
0xb8: {  	[tilespmem:$0x41D0] =	vst v0  }
0xb9: {  	[tilespmem:$0x41C0] =	vst v0  }
0xba: {  	[tilespmem:$0x41B0] =	vst v0  }
0xbb: {  	[tilespmem:$0x41A0] =	vst v0  }
0xbc: {  	[tilespmem:$0x4190] =	vst v0  }
0xbd: {  	[tilespmem:s3], [sflag:$0x2] =	stream.linear.gather [hbm4b:s5+s3], $0x80, $0x38;
	[tilespmem:$0x4980] =	vst v63  }
0xbe: {  	_ =	swait.ge [sflag:s4], $0x80  }
0xbf: {  	[sflag:s4] =	ssyncset.done $0x0  }
0xc0: {  	[sflag:s4] =	ssyncadd.s32 $0xFFFFFF80  }
0xc1: {  	v2 =	vld [tilespmem:$0x60]  }
0xc2: {  	v3 =	vld [tilespmem:$0x40]  }
0xc3: {  	v4 =	vld [tilespmem:$0x70]  }
0xc4: {  	v5 =	vld [tilespmem:$0x50]  }
0xc5: {  	v6 =	vld [tilespmem:$0x20]  }
0xc6: {  	v7 =	vld [tilespmem:$0x10];
	v2 =	vshrl.u32 v2, $0x2  }
0xc7: {  	v8 =	vld [tilespmem:$0x30];
	v3 =	vshrl.u32 v3, $0x2;
	[tilespmem:$0xE0] =	vst v2  }
0xc8: {  	v2 =	vld [tilespmem:$0x0];
	[tilespmem:$0xC0] =	vst v3;
	v3 =	vshrl.u32 v4, $0x2  }
0xc9: {  	v4 =	vshrl.u32 v5, $0x2;
	[tilespmem:$0xF0] =	vst v3  }
0xca: {  	v3 =	vshrl.u32 v6, $0x2;
	[tilespmem:$0xD0] =	vst v4  }
0xcb: {  	v4 =	vshrl.u32 v7, $0x2;
	[tilespmem:$0xA0] =	vst v3  }
0xcc: {  	[tilespmem:$0x90] =	vst v4;
	v3 =	vshrl.u32 v8, $0x2  }
0xcd: {  	v2 =	vshrl.u32 v2, $0x2;
	[tilespmem:$0xB0] =	vst v3  }
0xce: {  	[tilespmem:$0x80] =	vst v2  }
0xcf: {  	[tilespmem:s7], [sflag:$0x1] =	stream.indirect.gather [hbm4b:s1+s6], $0x80, s6, s6, $0xb8;
	[tilespmem:$0x4980] =	vst v63  }
0xd0: {  	_ =	swait.ge [sflag:s8], $0x4000  }
0xd1: {  	[sflag:s8] =	ssyncset.done $0x0  }
0xd2: {  	[sflag:s8] =	ssyncadd.s32 $0xFFFFC000  }
0xd3: {  	[hbm4b:s9+s3] =	stream.linear.scatter [tilespmem:s7], [sflag:$0x2], $0x4000, $0x38;
	[tilespmem:$0x4980] =	vst v63  }
0xd4: {  	_ =	swait.ge [sflag:s4], $0x4000  }
0xd5: {  	[sflag:s4] =	ssyncset.done $0x0  }
0xd6: {  	[sflag:s4] =	ssyncadd.s32 $0xFFFFC000  }
0xd7: {  	[spmem:s10] =	stream.linear.scatter [tilespmem:s11], [sflag:$0x2], $0x400, $0x38;
	[tilespmem:$0x4980] =	vst v63  }
.Ltmp1:
0xd8: {  	_ =	swait.ge [sflag:s4], $0x400;
	(pc) =	sbr.rel @p1 .LBB2_1-.Ltmp1, $4  }
0xd9: {  	[sflag:s4] =	ssyncset.done $0x0  }
0xda: {  	[sflag:s4] =	ssyncadd.s32 $0xFFFFFC00  }
0xdb: {  	[bflag:$0x0] =	sbarrier.arrive $0xFFFF  }
0xdc: {  	[spmem:s2] =	stream.indirect.scatter.add.f32 [tilespmem:s14], [sflag:$0x2], $0x1, s3, s6, $0xb8;
	[tilespmem:$0x4980] =	vst v63  }
.LBB2_2:
0xdd: {  	_ =	swait.ge [sflag:s4], $0x80  }
0xde: {  	s1 =	simm.s32 @!p0 $0x2;
	[sflag:s4] =	ssyncset.done $0x0  }
0xdf: {  	s2 =	simm.s32 @!p0 $0x10;
	s3 =	simm.s32 @!p0 $0x1C02;
	[sflag:s4] =	ssyncadd.s32 $0xFFFFFF80  }
0xe0: {  	s5 =	simm.s32 @!p0 $0x20;
	s4 =	simm.s32 @!p0 $0x1;
	[bflag:$0x0] =	sbarrier.arrive $0xFFFF  }
0xe1: {  	[hbm:s12@s5], [sflag:s3] =	dma.strided @!p0 [spmem:s13@s2], $0x800, s4, $0x10   }
0xe2: {  	_ =	swait.ge @!p0 [sflag:s1], $0x800  }
0xe3: {  	[sflag:s1] =	ssyncset.done @!p0 $0x0  }
0xe4: {  	[sflag:s1] =	ssyncadd.s32 @!p0 $0xFFFFF800  }
0xe5: {  	_ =	sfence.sel $0x180000  }
0xe6: {  	[bflag:$0x0] =	sbarrier.arrive $0xFFFF  }
0xe7: {  	_ =	strace $0x90000047  }
0xe8: {  	s0 =	sadd.s32 @!p0 $0x100000, s0;
	[bflag:$0x2] =	sbarrier.arrive $0xFFFF  }
0xe9: {  	[sflag:s0] =	ssyncadd.tile.s32 @!p0 $0x1;
	_ =	shalt  }
.Lfunc_end2:
_tile_overlayer_lowered:
.L_overlay_start_2:
0xea: {  	(tag) =	ssettag $0x2  }
0xeb: {  	s0 =	rddreg [dreg:$0x0];
	s2 =	stileid.u32  }
0xec: {  	s1 =	rddreg [dreg:$0x1];
	p0 =	sne.s32 s2, $0x0  }
0xed: {  	s3 =	rddreg [dreg:$0x2];
	[bflag:$0x3] =	sbarrier.arrive $0xFFFF;
	s2 =	simm.s32 @!p0 $0x1C02  }
0xee: {  	[timem:s3], [sflag:s2] =	dma.local @!p0 [hbm:s0], s1  }
0xef: {  	s0 =	simm.s32 @!p0 $0x2  }
0xf0: {  	_ =	swait.ge @!p0 [sflag:s0], s1  }
0xf1: {  	s1 =	ssub.s32 @!p0 $0x0, s1;
	[sflag:s0] =	ssyncset.done @!p0 $0x0  }
0xf2: {  	[sflag:s0] =	ssyncadd.s32 @!p0 s1  }
0xf3: {  	[bflag:$0x3] =	sbarrier.arrive $0xFFFF  }
0xf4: {  	_ =	shalt  }

</sc_bundles>
